<compile_context>
chip_gen: v7x
topology: tpu7x:2x2x1
jax: 0.10.2.dev20260603
libtpu: 0.0.44.dev20260713+nightly
codegen_flags: <defaults>
</compile_context>

<pallas_src>
import functools

import jax
import jax.numpy as jnp
from jax import lax
from jax.experimental import pallas as pl
from jax.experimental.pallas import tpu as pltpu
from jax.experimental.pallas import tpu_sc as plsc

B, C, H, W = 4, 3, 224, 224
N_SEG = 196
EMBED = 768
N_PIX = H * W
NC, NS, L = 2, 16, 16
NW = NC * NS
W_PER_B = NW // B
SEG_PAD = 200
COMP = 8
ACC_COLS = L * COMP
UNROLL = 2
ROWS = H // W_PER_B
VPR = W // L


def _sc_partial_sums(img, segments):
    mesh = plsc.VectorSubcoreMesh(core_axis_name="c", subcore_axis_name="s")

    @functools.partial(
        pl.kernel,
        out_type=jax.ShapeDtypeStruct((NW, SEG_PAD, ACC_COLS), jnp.float32),
        mesh=mesh,
        compiler_params=pltpu.CompilerParams(needs_layout_passes=False),
        scratch_types=[
            pltpu.VMEM((ROWS + 4, W), jnp.float32),
            pltpu.VMEM((ROWS + 4, W), jnp.float32),
            pltpu.VMEM((ROWS + 4, W), jnp.float32),
            pltpu.VMEM((ROWS + 4, W), jnp.int32),
            pltpu.VMEM((SEG_PAD, ACC_COLS), jnp.float32),
            pltpu.SemaphoreType.DMA,
        ],
    )
    def k(img_hbm, seg_hbm, out_hbm,
          c0_v, c1_v, c2_v, sg_v, acc, sem):
        wid = lax.axis_index("c") * NS + lax.axis_index("s")
        bi = wid // W_PER_B
        si = wid % W_PER_B
        r0 = si * ROWS
        off = (si % 2) * 4
        a0 = pl.multiple_of(r0 - off, 8)

        cps = [
            pltpu.async_copy(img_hbm.at[bi, 0, pl.ds(a0, ROWS + 4)], c0_v, sem),
            pltpu.async_copy(img_hbm.at[bi, 1, pl.ds(a0, ROWS + 4)], c1_v, sem),
            pltpu.async_copy(img_hbm.at[bi, 2, pl.ds(a0, ROWS + 4)], c2_v, sem),
            pltpu.async_copy(seg_hbm.at[bi, pl.ds(a0, ROWS + 4)], sg_v, sem),
        ]

        zeros = jnp.zeros((L,), jnp.float32)

        @plsc.parallel_loop(0, SEG_PAD, 1, unroll=4)
        def _(s):
            for kk in range(ACC_COLS // L):
                acc[s, pl.ds(kk * L, L)] = zeros

        for cp in cps:
            cp.wait()

        lane = lax.broadcasted_iota(jnp.int32, (L,), 0)
        cols = lane * COMP
        ones = jnp.ones((L,), jnp.float32)
        lane_f = lane.astype(jnp.float32)
        inv = jnp.float32(1.0 / (W - 1))
        xvecs = [(lane_f + (j * L)) * inv for j in range(VPR)]

        @plsc.parallel_loop(0, ROWS, 1, unroll=UNROLL)
        def _(r):
            ro = off + r
            yval = (r0 + r).astype(jnp.float32) * inv
            yvec = jnp.full((L,), 1.0, jnp.float32) * yval
            for j in range(VPR):
                sl = pl.ds(j * L, L)
                seg = sg_v[ro, sl]
                plsc.addupdate_scatter(acc, [seg, cols], c0_v[ro, sl])
                plsc.addupdate_scatter(acc, [seg, cols + 1], c1_v[ro, sl])
                plsc.addupdate_scatter(acc, [seg, cols + 2], c2_v[ro, sl])
                plsc.addupdate_scatter(acc, [seg, cols + 3], xvecs[j])
                plsc.addupdate_scatter(acc, [seg, cols + 4], yvec)
                plsc.addupdate_scatter(acc, [seg, cols + 5], ones)

        pltpu.sync_copy(acc, out_hbm.at[wid])

    return k(img, segments)


def _tc_finish_body(p_ref, wrep_ref, sel_ref, o_ref):
    total = jnp.sum(p_ref[...], axis=0)
    acc = total[:N_SEG, :]
    mm = lax.dot_general(acc, wrep_ref[...],
                         (((1,), (0,)), ((), ())),
                         preferred_element_type=jnp.float32)
    cnt = jnp.sum(acc * sel_ref[...], axis=1, keepdims=True)
    o_ref[0] = mm / jnp.maximum(cnt, 1.0)


def _tc_finish(partials, W_lin, b_lin):
    wrep = jnp.zeros((L, COMP, EMBED), jnp.float32)
    wrep = wrep.at[:, :5, :].set(W_lin[None, :, :])
    wrep = wrep.at[:, 5, :].set(b_lin[None, :])
    wrep = wrep.reshape(ACC_COLS, EMBED)
    sel = jnp.zeros((L, COMP), jnp.float32).at[:, 5].set(1.0).reshape(1, ACC_COLS)
    return pl.pallas_call(
        _tc_finish_body,
        grid=(B,),
        in_specs=[
            pl.BlockSpec((W_PER_B, SEG_PAD, ACC_COLS), lambda i: (i, 0, 0)),
            pl.BlockSpec((ACC_COLS, EMBED), lambda i: (0, 0)),
            pl.BlockSpec((1, ACC_COLS), lambda i: (0, 0)),
        ],
        out_specs=pl.BlockSpec((1, N_SEG, EMBED), lambda i: (i, 0, 0)),
        out_shape=jax.ShapeDtypeStruct((B, N_SEG, EMBED), jnp.float32),
    )(partials, wrep, sel)


def kernel(img, segments, W_lin, b_lin):
    partials = _sc_partial_sums(img, segments)
    return _tc_finish(partials, W_lin, b_lin)

# --- scband reference (transcript-rebuilt; emitter-appended) ---
"""Pipeline reference for scband-differentiable-superpixel-tokenizer-34557306863963 (READ-ONLY COPY).

The authoritative reference and input builder live on the scoring server;
editing this copy changes nothing except your own understanding.
"""

import jax, jax.numpy as jnp
import numpy as np

B, C, H, W = 4, 3, 224, 224
N_SEGMENTS = 196
EMBED_DIM = 768


def setup_inputs(seed: int = 0) -> dict:
    key = jax.random.key(seed)
    k1, k2, k3, k4 = jax.random.split(key, 4)
    img = jax.random.normal(k1, (B, C, H, W), dtype=jnp.float32)
    # VoronoiPropagation stand-in: per-pixel superpixel assignments in [0, n_segments)
    segments = jax.random.randint(k2, (B, H, W), 0, N_SEGMENTS, dtype=jnp.int32)
    # nn.Linear(n_channels + 2, embed_dim) parameters
    fan_in = C + 2
    bound = 1.0 / np.sqrt(fan_in)
    W_lin = jax.random.uniform(k3, (fan_in, EMBED_DIM), dtype=jnp.float32, minval=-bound, maxval=bound)
    b_lin = jax.random.uniform(k4, (EMBED_DIM,), dtype=jnp.float32, minval=-bound, maxval=bound)
    return {"img": img, "segments": segments, "W_lin": W_lin, "b_lin": b_lin}


def reference(img, segments, W_lin, b_lin):
    Bq, Cq, Hq, Wq = img.shape
    N_pixels = Hq * Wq
    segments_flat = segments.reshape(Bq, N_pixels)
    img_flat = jnp.transpose(img.reshape(Bq, Cq, N_pixels), (0, 2, 1))
    y_coords, x_coords = jnp.meshgrid(
        jnp.arange(Hq, dtype=jnp.float32) / (Hq - 1),
        jnp.arange(Wq, dtype=jnp.float32) / (Wq - 1),
        indexing='ij')
    coords = jnp.stack((x_coords, y_coords), axis=-1).reshape(1, N_pixels, 2)
    coords = jnp.broadcast_to(coords, (Bq, N_pixels, 2))
    feats = jnp.concatenate([img_flat, coords], axis=-1)
    batch_indices = jnp.arange(Bq, dtype=segments_flat.dtype)[:, None] * N_SEGMENTS
    segment_ids = (segments_flat + batch_indices).reshape(Bq * N_pixels)
    feats = feats.reshape(Bq * N_pixels, Cq + 2)
    pixel_embeddings = feats @ W_lin + b_lin
    sums = jax.ops.segment_sum(pixel_embeddings, segment_ids, num_segments=Bq * N_SEGMENTS)
    counts = jax.ops.segment_sum(jnp.ones((Bq * N_pixels,), dtype=pixel_embeddings.dtype), segment_ids, num_segments=Bq * N_SEGMENTS)
    superpixel_embeddings = sums / jnp.clip(counts, 1.0)[:, None]
    return superpixel_embeddings.reshape(Bq, N_SEGMENTS, EMBED_DIM)

if __name__ == "__main__":
    import jax
    _d = setup_inputs()
    print(jax.jit(kernel)(*tuple(_d.values())))

</pallas_src>

<mosaic_0001>
#map = affine_map<(d0, d1) -> (0, 0, 0, 0)>
#map1 = affine_map<(d0, d1) -> (0, 0, 0)>
module attributes {stable_mosaic.version = 14 : i64} {
  func.func @k(%arg0: i32, %arg1: i32, %arg2: memref<4x3x224x224xf32, #tpu.memory_space<hbm>>, %arg3: memref<4x224x224xi32, #tpu.memory_space<hbm>>, %arg4: memref<32x200x128xf32, #tpu.memory_space<hbm>>, %arg5: memref<32x224xf32, #tpu.memory_space<vmem>>, %arg6: memref<32x224xf32, #tpu.memory_space<vmem>>, %arg7: memref<32x224xf32, #tpu.memory_space<vmem>>, %arg8: memref<32x224xi32, #tpu.memory_space<vmem>>, %arg9: memref<200x128xf32, #tpu.memory_space<vmem>>, %arg10: memref<!tpu.dma_semaphore, #tpu.memory_space<semaphore_mem>>) attributes {dimension_semantics = [#tpu.dimension_semantics<core_parallel>, #tpu.dimension_semantics<subcore_parallel>], iteration_bounds = array<i64: 2, 16>, scalar_prefetch = 0 : i64, scratch_operands = 6 : i64, tpu.core_type = #tpu.core_type<sc_vector_subcore>, window_params = [{transform_indices = #map}, {transform_indices = #map1}, {transform_indices = #map1}]} {
    %mul3A = arith.constant 16 : i32
    %mul3A_0 = arith.muli %arg0, %mul3A : i32
    %add3A = arith.addi %mul3A_0, %arg1 : i32
    %jit3A = arith.constant 8 : i32
    %div3A = arith.divsi %add3A, %jit3A : i32
    %sign3A = arith.constant 0 : i32
    %sign3A_1 = arith.cmpi sgt, %add3A, %sign3A : i32
    %sign3A_2 = arith.extui %sign3A_1 : i1 to i32
    %sign3A_3 = arith.constant 0 : i32
    %sign3A_4 = arith.cmpi slt, %add3A, %sign3A_3 : i32
    %sign3A_5 = arith.extui %sign3A_4 : i1 to i32
    %sign3A_6 = arith.subi %sign3A_2, %sign3A_5 : i32
    %sign3A_7 = arith.constant 0 : i32
    %sign3A_8 = arith.cmpi sgt, %jit3A, %sign3A_7 : i32
    %sign3A_9 = arith.extui %sign3A_8 : i1 to i32
    %sign3A_10 = arith.constant 0 : i32
    %sign3A_11 = arith.cmpi slt, %jit3A, %sign3A_10 : i32
    %sign3A_12 = arith.extui %sign3A_11 : i1 to i32
    %sign3A_13 = arith.subi %sign3A_9, %sign3A_12 : i32
    %ne3A = arith.cmpi ne, %sign3A_6, %sign3A_13 : i32
    %rem3A = arith.remsi %add3A, %jit3A : i32
    %ne3A_14 = arith.constant 0 : i32
    %ne3A_15 = arith.cmpi ne, %rem3A, %ne3A_14 : i32
    %and3A = arith.andi %ne3A, %ne3A_15 : i1
    %sub3A = arith.constant 1 : i32
    %sub3A_16 = arith.subi %div3A, %sub3A : i32
    %select_n3A = arith.select %and3A, %sub3A_16, %div3A : i32
    %jit3A_17 = arith.constant 8 : i32
    %eq3A = arith.constant 0 : i32
    %eq3A_18 = arith.cmpi eq, %jit3A_17, %eq3A : i32
    %jit3A_19 = arith.constant 1 : i32
    %select_n3A_20 = arith.select %eq3A_18, %jit3A_19, %jit3A_17 : i32
    %rem3A_21 = arith.remsi %add3A, %select_n3A_20 : i32
    %ne3A_22 = arith.constant 0 : i32
    %ne3A_23 = arith.cmpi ne, %rem3A_21, %ne3A_22 : i32
    %lt3A = arith.constant 0 : i32
    %lt3A_24 = arith.cmpi slt, %rem3A_21, %lt3A : i32
    %lt3A_25 = arith.constant 0 : i32
    %lt3A_26 = arith.cmpi slt, %select_n3A_20, %lt3A_25 : i32
    %ne3A_27 = arith.xori %lt3A_24, %lt3A_26 : i1
    %and3A_28 = arith.andi %ne3A_27, %ne3A_23 : i1
    %add3A_29 = arith.addi %rem3A_21, %select_n3A_20 : i32
    %select_n3A_30 = arith.select %and3A_28, %add3A_29, %rem3A_21 : i32
    %mul3A_31 = arith.constant 28 : i32
    %mul3A_32 = arith.muli %select_n3A_30, %mul3A_31 : i32
    %jit3A_33 = arith.constant 2 : i32
    %eq3A_34 = arith.constant 0 : i32
    %eq3A_35 = arith.cmpi eq, %jit3A_33, %eq3A_34 : i32
    %jit3A_36 = arith.constant 1 : i32
    %select_n3A_37 = arith.select %eq3A_35, %jit3A_36, %jit3A_33 : i32
    %rem3A_38 = arith.remsi %select_n3A_30, %select_n3A_37 : i32
    %ne3A_39 = arith.constant 0 : i32
    %ne3A_40 = arith.cmpi ne, %rem3A_38, %ne3A_39 : i32
    %lt3A_41 = arith.constant 0 : i32
    %lt3A_42 = arith.cmpi slt, %rem3A_38, %lt3A_41 : i32
    %lt3A_43 = arith.constant 0 : i32
    %lt3A_44 = arith.cmpi slt, %select_n3A_37, %lt3A_43 : i32
    %ne3A_45 = arith.xori %lt3A_42, %lt3A_44 : i1
    %and3A_46 = arith.andi %ne3A_45, %ne3A_40 : i1
    %add3A_47 = arith.addi %rem3A_38, %select_n3A_37 : i32
    %select_n3A_48 = arith.select %and3A_46, %add3A_47, %rem3A_38 : i32
    %mul3A_49 = arith.constant 4 : i32
    %mul3A_50 = arith.muli %select_n3A_48, %mul3A_49 : i32
    %sub3A_51 = arith.subi %mul3A_32, %mul3A_50 : i32
    %multiple_of3A = tpu.assume_multiple %sub3A_51, 8 : i32
    %dma_start3A = arith.constant 0 : i32
    %dma_start3A_52 = arith.constant 0 : i32
    %dma_start3A_53 = tpu.memref_slice %arg2[%select_n3A, %dma_start3A, %multiple_of3A, %dma_start3A_52] : memref<4x3x224x224xf32, #tpu.memory_space<hbm>> -> memref<1x1x32x224xf32, #tpu.memory_space<hbm>>
    %dma_start3A_54 = tpu.memref_squeeze %dma_start3A_53 : memref<1x1x32x224xf32, #tpu.memory_space<hbm>> -> memref<32x224xf32, #tpu.memory_space<hbm>>
    %dma_start3A_55 = arith.constant 0 : i32
    %dma_start3A_56 = tpu.memref_slice %arg2[%select_n3A, %dma_start3A, %multiple_of3A, %dma_start3A_55] : memref<4x3x224x224xf32, #tpu.memory_space<hbm>> -> memref<1x1x32x224xf32, #tpu.memory_space<hbm>>
    %dma_start3A_57 = tpu.memref_squeeze %dma_start3A_56 : memref<1x1x32x224xf32, #tpu.memory_space<hbm>> -> memref<32x224xf32, #tpu.memory_space<hbm>>
    tpu.enqueue_dma source(%dma_start3A_57 : memref<32x224xf32, #tpu.memory_space<hbm>>) target(%arg5 : memref<32x224xf32, #tpu.memory_space<vmem>>) target_semaphore(%arg10 : memref<!tpu.dma_semaphore, #tpu.memory_space<semaphore_mem>>)
    %dma_start3A_58 = arith.constant 1 : i32
    %dma_start3A_59 = arith.constant 0 : i32
    %dma_start3A_60 = tpu.memref_slice %arg2[%select_n3A, %dma_start3A_58, %multiple_of3A, %dma_start3A_59] : memref<4x3x224x224xf32, #tpu.memory_space<hbm>> -> memref<1x1x32x224xf32, #tpu.memory_space<hbm>>
    %dma_start3A_61 = tpu.memref_squeeze %dma_start3A_60 : memref<1x1x32x224xf32, #tpu.memory_space<hbm>> -> memref<32x224xf32, #tpu.memory_space<hbm>>
    %dma_start3A_62 = arith.constant 0 : i32
    %dma_start3A_63 = tpu.memref_slice %arg2[%select_n3A, %dma_start3A_58, %multiple_of3A, %dma_start3A_62] : memref<4x3x224x224xf32, #tpu.memory_space<hbm>> -> memref<1x1x32x224xf32, #tpu.memory_space<hbm>>
    %dma_start3A_64 = tpu.memref_squeeze %dma_start3A_63 : memref<1x1x32x224xf32, #tpu.memory_space<hbm>> -> memref<32x224xf32, #tpu.memory_space<hbm>>
    tpu.enqueue_dma source(%dma_start3A_64 : memref<32x224xf32, #tpu.memory_space<hbm>>) target(%arg6 : memref<32x224xf32, #tpu.memory_space<vmem>>) target_semaphore(%arg10 : memref<!tpu.dma_semaphore, #tpu.memory_space<semaphore_mem>>)
    %dma_start3A_65 = arith.constant 2 : i32
    %dma_start3A_66 = arith.constant 0 : i32
    %dma_start3A_67 = tpu.memref_slice %arg2[%select_n3A, %dma_start3A_65, %multiple_of3A, %dma_start3A_66] : memref<4x3x224x224xf32, #tpu.memory_space<hbm>> -> memref<1x1x32x224xf32, #tpu.memory_space<hbm>>
    %dma_start3A_68 = tpu.memref_squeeze %dma_start3A_67 : memref<1x1x32x224xf32, #tpu.memory_space<hbm>> -> memref<32x224xf32, #tpu.memory_space<hbm>>
    %dma_start3A_69 = arith.constant 0 : i32
    %dma_start3A_70 = tpu.memref_slice %arg2[%select_n3A, %dma_start3A_65, %multiple_of3A, %dma_start3A_69] : memref<4x3x224x224xf32, #tpu.memory_space<hbm>> -> memref<1x1x32x224xf32, #tpu.memory_space<hbm>>
    %dma_start3A_71 = tpu.memref_squeeze %dma_start3A_70 : memref<1x1x32x224xf32, #tpu.memory_space<hbm>> -> memref<32x224xf32, #tpu.memory_space<hbm>>
    tpu.enqueue_dma source(%dma_start3A_71 : memref<32x224xf32, #tpu.memory_space<hbm>>) target(%arg7 : memref<32x224xf32, #tpu.memory_space<vmem>>) target_semaphore(%arg10 : memref<!tpu.dma_semaphore, #tpu.memory_space<semaphore_mem>>)
    %dma_start3A_72 = arith.constant 0 : i32
    %dma_start3A_73 = tpu.memref_slice %arg3[%select_n3A, %multiple_of3A, %dma_start3A_72] : memref<4x224x224xi32, #tpu.memory_space<hbm>> -> memref<1x32x224xi32, #tpu.memory_space<hbm>>
    %dma_start3A_74 = tpu.memref_squeeze %dma_start3A_73 : memref<1x32x224xi32, #tpu.memory_space<hbm>> -> memref<32x224xi32, #tpu.memory_space<hbm>>
    %dma_start3A_75 = arith.constant 0 : i32
    %dma_start3A_76 = tpu.memref_slice %arg3[%select_n3A, %multiple_of3A, %dma_start3A_75] : memref<4x224x224xi32, #tpu.memory_space<hbm>> -> memref<1x32x224xi32, #tpu.memory_space<hbm>>
    %dma_start3A_77 = tpu.memref_squeeze %dma_start3A_76 : memref<1x32x224xi32, #tpu.memory_space<hbm>> -> memref<32x224xi32, #tpu.memory_space<hbm>>
    tpu.enqueue_dma source(%dma_start3A_77 : memref<32x224xi32, #tpu.memory_space<hbm>>) target(%arg8 : memref<32x224xi32, #tpu.memory_space<vmem>>) target_semaphore(%arg10 : memref<!tpu.dma_semaphore, #tpu.memory_space<semaphore_mem>>)
    %broadcast_in_dim3A = arith.constant 0.000000e+00 : f32
    %broadcast_in_dim3A_78 = vector.broadcast %broadcast_in_dim3A : f32 to vector<16xf32>
    %parallel_loop3A = arith.constant 0 : i32
    %parallel_loop3A_79 = arith.constant 200 : i32
    %parallel_loop3A_80 = arith.constant 1 : i32
    scf.for %parallel_loop3A_200 = %parallel_loop3A to %parallel_loop3A_79 step %parallel_loop3A_80  : i32 {
      %parallel_loop3A_201 = arith.index_cast %parallel_loop3A_200 : i32 to index
      %parallel_loop3A_202 = arith.constant 0 : index
      %parallel_loop3A_203 = tpu.vector_load %arg9[%parallel_loop3A_201, %parallel_loop3A_202] {strides = array<i32>} : memref<200x128xf32, #tpu.memory_space<vmem>>, vector<16xf32>,
      tpu.vector_store %arg9[%parallel_loop3A_201, %parallel_loop3A_202], %broadcast_in_dim3A_78 {strides = array<i32>} : memref<200x128xf32, #tpu.memory_space<vmem>>, vector<16xf32>,
      %parallel_loop3A_204 = arith.index_cast %parallel_loop3A_200 : i32 to index
      %parallel_loop3A_205 = arith.constant 16 : index
      %parallel_loop3A_206 = tpu.vector_load %arg9[%parallel_loop3A_204, %parallel_loop3A_205] {strides = array<i32>} : memref<200x128xf32, #tpu.memory_space<vmem>>, vector<16xf32>,
      tpu.vector_store %arg9[%parallel_loop3A_204, %parallel_loop3A_205], %broadcast_in_dim3A_78 {strides = array<i32>} : memref<200x128xf32, #tpu.memory_space<vmem>>, vector<16xf32>,
      %parallel_loop3A_207 = arith.index_cast %parallel_loop3A_200 : i32 to index
      %parallel_loop3A_208 = arith.constant 32 : index
      %parallel_loop3A_209 = tpu.vector_load %arg9[%parallel_loop3A_207, %parallel_loop3A_208] {strides = array<i32>} : memref<200x128xf32, #tpu.memory_space<vmem>>, vector<16xf32>,
      tpu.vector_store %arg9[%parallel_loop3A_207, %parallel_loop3A_208], %broadcast_in_dim3A_78 {strides = array<i32>} : memref<200x128xf32, #tpu.memory_space<vmem>>, vector<16xf32>,
      %parallel_loop3A_210 = arith.index_cast %parallel_loop3A_200 : i32 to index
      %parallel_loop3A_211 = arith.constant 48 : index
      %parallel_loop3A_212 = tpu.vector_load %arg9[%parallel_loop3A_210, %parallel_loop3A_211] {strides = array<i32>} : memref<200x128xf32, #tpu.memory_space<vmem>>, vector<16xf32>,
      tpu.vector_store %arg9[%parallel_loop3A_210, %parallel_loop3A_211], %broadcast_in_dim3A_78 {strides = array<i32>} : memref<200x128xf32, #tpu.memory_space<vmem>>, vector<16xf32>,
      %parallel_loop3A_213 = arith.index_cast %parallel_loop3A_200 : i32 to index
      %parallel_loop3A_214 = arith.constant 64 : index
      %parallel_loop3A_215 = tpu.vector_load %arg9[%parallel_loop3A_213, %parallel_loop3A_214] {strides = array<i32>} : memref<200x128xf32, #tpu.memory_space<vmem>>, vector<16xf32>,
      tpu.vector_store %arg9[%parallel_loop3A_213, %parallel_loop3A_214], %broadcast_in_dim3A_78 {strides = array<i32>} : memref<200x128xf32, #tpu.memory_space<vmem>>, vector<16xf32>,
      %parallel_loop3A_216 = arith.index_cast %parallel_loop3A_200 : i32 to index
      %parallel_loop3A_217 = arith.constant 80 : index
      %parallel_loop3A_218 = tpu.vector_load %arg9[%parallel_loop3A_216, %parallel_loop3A_217] {strides = array<i32>} : memref<200x128xf32, #tpu.memory_space<vmem>>, vector<16xf32>,
      tpu.vector_store %arg9[%parallel_loop3A_216, %parallel_loop3A_217], %broadcast_in_dim3A_78 {strides = array<i32>} : memref<200x128xf32, #tpu.memory_space<vmem>>, vector<16xf32>,
      %parallel_loop3A_219 = arith.index_cast %parallel_loop3A_200 : i32 to index
      %parallel_loop3A_220 = arith.constant 96 : index
      %parallel_loop3A_221 = tpu.vector_load %arg9[%parallel_loop3A_219, %parallel_loop3A_220] {strides = array<i32>} : memref<200x128xf32, #tpu.memory_space<vmem>>, vector<16xf32>,
      tpu.vector_store %arg9[%parallel_loop3A_219, %parallel_loop3A_220], %broadcast_in_dim3A_78 {strides = array<i32>} : memref<200x128xf32, #tpu.memory_space<vmem>>, vector<16xf32>,
      %parallel_loop3A_222 = arith.index_cast %parallel_loop3A_200 : i32 to index
      %parallel_loop3A_223 = arith.constant 112 : index
      %parallel_loop3A_224 = tpu.vector_load %arg9[%parallel_loop3A_222, %parallel_loop3A_223] {strides = array<i32>} : memref<200x128xf32, #tpu.memory_space<vmem>>, vector<16xf32>,
      tpu.vector_store %arg9[%parallel_loop3A_222, %parallel_loop3A_223], %broadcast_in_dim3A_78 {strides = array<i32>} : memref<200x128xf32, #tpu.memory_space<vmem>>, vector<16xf32>,
    } {sc.loop_unroll_factor = 4 : i64, sc.parallel_access}
    %dma_wait3A = arith.constant 0 : i32
    %dma_wait3A_81 = arith.constant 0 : i32
    %dma_wait3A_82 = tpu.memref_slice %arg2[%select_n3A, %dma_wait3A, %multiple_of3A, %dma_wait3A_81] : memref<4x3x224x224xf32, #tpu.memory_space<hbm>> -> memref<1x1x32x224xf32, #tpu.memory_space<hbm>>
    %dma_wait3A_83 = tpu.memref_squeeze %dma_wait3A_82 : memref<1x1x32x224xf32, #tpu.memory_space<hbm>> -> memref<32x224xf32, #tpu.memory_space<hbm>>
    %dma_wait3A_84 = arith.constant 0 : i32
    %dma_wait3A_85 = tpu.memref_slice %arg2[%select_n3A, %dma_wait3A, %multiple_of3A, %dma_wait3A_84] : memref<4x3x224x224xf32, #tpu.memory_space<hbm>> -> memref<1x1x32x224xf32, #tpu.memory_space<hbm>>
    %dma_wait3A_86 = tpu.memref_squeeze %dma_wait3A_85 : memref<1x1x32x224xf32, #tpu.memory_space<hbm>> -> memref<32x224xf32, #tpu.memory_space<hbm>>
    tpu.wait_dma2 semaphore(%arg10 : memref<!tpu.dma_semaphore, #tpu.memory_space<semaphore_mem>>) src(%dma_wait3A_86 : memref<32x224xf32, #tpu.memory_space<hbm>>) dst(%arg5 : memref<32x224xf32, #tpu.memory_space<vmem>>)
    %dma_wait3A_87 = arith.constant 1 : i32
    %dma_wait3A_88 = arith.constant 0 : i32
    %dma_wait3A_89 = tpu.memref_slice %arg2[%select_n3A, %dma_wait3A_87, %multiple_of3A, %dma_wait3A_88] : memref<4x3x224x224xf32, #tpu.memory_space<hbm>> -> memref<1x1x32x224xf32, #tpu.memory_space<hbm>>
    %dma_wait3A_90 = tpu.memref_squeeze %dma_wait3A_89 : memref<1x1x32x224xf32, #tpu.memory_space<hbm>> -> memref<32x224xf32, #tpu.memory_space<hbm>>
    %dma_wait3A_91 = arith.constant 0 : i32
    %dma_wait3A_92 = tpu.memref_slice %arg2[%select_n3A, %dma_wait3A_87, %multiple_of3A, %dma_wait3A_91] : memref<4x3x224x224xf32, #tpu.memory_space<hbm>> -> memref<1x1x32x224xf32, #tpu.memory_space<hbm>>
    %dma_wait3A_93 = tpu.memref_squeeze %dma_wait3A_92 : memref<1x1x32x224xf32, #tpu.memory_space<hbm>> -> memref<32x224xf32, #tpu.memory_space<hbm>>
    tpu.wait_dma2 semaphore(%arg10 : memref<!tpu.dma_semaphore, #tpu.memory_space<semaphore_mem>>) src(%dma_wait3A_93 : memref<32x224xf32, #tpu.memory_space<hbm>>) dst(%arg6 : memref<32x224xf32, #tpu.memory_space<vmem>>)
    %dma_wait3A_94 = arith.constant 2 : i32
    %dma_wait3A_95 = arith.constant 0 : i32
    %dma_wait3A_96 = tpu.memref_slice %arg2[%select_n3A, %dma_wait3A_94, %multiple_of3A, %dma_wait3A_95] : memref<4x3x224x224xf32, #tpu.memory_space<hbm>> -> memref<1x1x32x224xf32, #tpu.memory_space<hbm>>
    %dma_wait3A_97 = tpu.memref_squeeze %dma_wait3A_96 : memref<1x1x32x224xf32, #tpu.memory_space<hbm>> -> memref<32x224xf32, #tpu.memory_space<hbm>>
    %dma_wait3A_98 = arith.constant 0 : i32
    %dma_wait3A_99 = tpu.memref_slice %arg2[%select_n3A, %dma_wait3A_94, %multiple_of3A, %dma_wait3A_98] : memref<4x3x224x224xf32, #tpu.memory_space<hbm>> -> memref<1x1x32x224xf32, #tpu.memory_space<hbm>>
    %dma_wait3A_100 = tpu.memref_squeeze %dma_wait3A_99 : memref<1x1x32x224xf32, #tpu.memory_space<hbm>> -> memref<32x224xf32, #tpu.memory_space<hbm>>
    tpu.wait_dma2 semaphore(%arg10 : memref<!tpu.dma_semaphore, #tpu.memory_space<semaphore_mem>>) src(%dma_wait3A_100 : memref<32x224xf32, #tpu.memory_space<hbm>>) dst(%arg7 : memref<32x224xf32, #tpu.memory_space<vmem>>)
    %dma_wait3A_101 = arith.constant 0 : i32
    %dma_wait3A_102 = tpu.memref_slice %arg3[%select_n3A, %multiple_of3A, %dma_wait3A_101] : memref<4x224x224xi32, #tpu.memory_space<hbm>> -> memref<1x32x224xi32, #tpu.memory_space<hbm>>
    %dma_wait3A_103 = tpu.memref_squeeze %dma_wait3A_102 : memref<1x32x224xi32, #tpu.memory_space<hbm>> -> memref<32x224xi32, #tpu.memory_space<hbm>>
    %dma_wait3A_104 = arith.constant 0 : i32
    %dma_wait3A_105 = tpu.memref_slice %arg3[%select_n3A, %multiple_of3A, %dma_wait3A_104] : memref<4x224x224xi32, #tpu.memory_space<hbm>> -> memref<1x32x224xi32, #tpu.memory_space<hbm>>
    %dma_wait3A_106 = tpu.memref_squeeze %dma_wait3A_105 : memref<1x32x224xi32, #tpu.memory_space<hbm>> -> memref<32x224xi32, #tpu.memory_space<hbm>>
    tpu.wait_dma2 semaphore(%arg10 : memref<!tpu.dma_semaphore, #tpu.memory_space<semaphore_mem>>) src(%dma_wait3A_106 : memref<32x224xi32, #tpu.memory_space<hbm>>) dst(%arg8 : memref<32x224xi32, #tpu.memory_space<vmem>>)
    %iota3A = tpu.iota {dimensions = array<i32: 0>} : vector<16xi32>
    %mul3A_107 = arith.constant 8 : i32
    %mul3A_108 = vector.broadcast %mul3A_107 : i32 to vector<16xi32>
    %mul3A_109 = arith.muli %iota3A, %mul3A_108 : vector<16xi32>
    %broadcast_in_dim3A_110 = arith.constant 1.000000e+00 : f32
    %broadcast_in_dim3A_111 = vector.broadcast %broadcast_in_dim3A_110 : f32 to vector<16xf32>
    %convert_element_type3A = arith.sitofp %iota3A : vector<16xi32> to vector<16xf32>
    %add3A_112 = arith.constant 0.000000e+00 : f32
    %add3A_113 = vector.broadcast %add3A_112 : f32 to vector<16xf32>
    %add3A_114 = arith.addf %convert_element_type3A, %add3A_113 : vector<16xf32>
    %mul3A_115 = arith.constant 0.00448430516 : f32
    %mul3A_116 = vector.broadcast %mul3A_115 : f32 to vector<16xf32>
    %mul3A_117 = arith.mulf %add3A_114, %mul3A_116 : vector<16xf32>
    %add3A_118 = arith.constant 1.600000e+01 : f32
    %add3A_119 = vector.broadcast %add3A_118 : f32 to vector<16xf32>
    %add3A_120 = arith.addf %convert_element_type3A, %add3A_119 : vector<16xf32>
    %mul3A_121 = arith.constant 0.00448430516 : f32
    %mul3A_122 = vector.broadcast %mul3A_121 : f32 to vector<16xf32>
    %mul3A_123 = arith.mulf %add3A_120, %mul3A_122 : vector<16xf32>
    %add3A_124 = arith.constant 3.200000e+01 : f32
    %add3A_125 = vector.broadcast %add3A_124 : f32 to vector<16xf32>
    %add3A_126 = arith.addf %convert_element_type3A, %add3A_125 : vector<16xf32>
    %mul3A_127 = arith.constant 0.00448430516 : f32
    %mul3A_128 = vector.broadcast %mul3A_127 : f32 to vector<16xf32>
    %mul3A_129 = arith.mulf %add3A_126, %mul3A_128 : vector<16xf32>
    %add3A_130 = arith.constant 4.800000e+01 : f32
    %add3A_131 = vector.broadcast %add3A_130 : f32 to vector<16xf32>
    %add3A_132 = arith.addf %convert_element_type3A, %add3A_131 : vector<16xf32>
    %mul3A_133 = arith.constant 0.00448430516 : f32
    %mul3A_134 = vector.broadcast %mul3A_133 : f32 to vector<16xf32>
    %mul3A_135 = arith.mulf %add3A_132, %mul3A_134 : vector<16xf32>
    %add3A_136 = arith.constant 6.400000e+01 : f32
    %add3A_137 = vector.broadcast %add3A_136 : f32 to vector<16xf32>
    %add3A_138 = arith.addf %convert_element_type3A, %add3A_137 : vector<16xf32>
    %mul3A_139 = arith.constant 0.00448430516 : f32
    %mul3A_140 = vector.broadcast %mul3A_139 : f32 to vector<16xf32>
    %mul3A_141 = arith.mulf %add3A_138, %mul3A_140 : vector<16xf32>
    %add3A_142 = arith.constant 8.000000e+01 : f32
    %add3A_143 = vector.broadcast %add3A_142 : f32 to vector<16xf32>
    %add3A_144 = arith.addf %convert_element_type3A, %add3A_143 : vector<16xf32>
    %mul3A_145 = arith.constant 0.00448430516 : f32
    %mul3A_146 = vector.broadcast %mul3A_145 : f32 to vector<16xf32>
    %mul3A_147 = arith.mulf %add3A_144, %mul3A_146 : vector<16xf32>
    %add3A_148 = arith.constant 9.600000e+01 : f32
    %add3A_149 = vector.broadcast %add3A_148 : f32 to vector<16xf32>
    %add3A_150 = arith.addf %convert_element_type3A, %add3A_149 : vector<16xf32>
    %mul3A_151 = arith.constant 0.00448430516 : f32
    %mul3A_152 = vector.broadcast %mul3A_151 : f32 to vector<16xf32>
    %mul3A_153 = arith.mulf %add3A_150, %mul3A_152 : vector<16xf32>
    %add3A_154 = arith.constant 1.120000e+02 : f32
    %add3A_155 = vector.broadcast %add3A_154 : f32 to vector<16xf32>
    %add3A_156 = arith.addf %convert_element_type3A, %add3A_155 : vector<16xf32>
    %mul3A_157 = arith.constant 0.00448430516 : f32
    %mul3A_158 = vector.broadcast %mul3A_157 : f32 to vector<16xf32>
    %mul3A_159 = arith.mulf %add3A_156, %mul3A_158 : vector<16xf32>
    %add3A_160 = arith.constant 1.280000e+02 : f32
    %add3A_161 = vector.broadcast %add3A_160 : f32 to vector<16xf32>
    %add3A_162 = arith.addf %convert_element_type3A, %add3A_161 : vector<16xf32>
    %mul3A_163 = arith.constant 0.00448430516 : f32
    %mul3A_164 = vector.broadcast %mul3A_163 : f32 to vector<16xf32>
    %mul3A_165 = arith.mulf %add3A_162, %mul3A_164 : vector<16xf32>
    %add3A_166 = arith.constant 1.440000e+02 : f32
    %add3A_167 = vector.broadcast %add3A_166 : f32 to vector<16xf32>
    %add3A_168 = arith.addf %convert_element_type3A, %add3A_167 : vector<16xf32>
    %mul3A_169 = arith.constant 0.00448430516 : f32
    %mul3A_170 = vector.broadcast %mul3A_169 : f32 to vector<16xf32>
    %mul3A_171 = arith.mulf %add3A_168, %mul3A_170 : vector<16xf32>
    %add3A_172 = arith.constant 1.600000e+02 : f32
    %add3A_173 = vector.broadcast %add3A_172 : f32 to vector<16xf32>
    %add3A_174 = arith.addf %convert_element_type3A, %add3A_173 : vector<16xf32>
    %mul3A_175 = arith.constant 0.00448430516 : f32
    %mul3A_176 = vector.broadcast %mul3A_175 : f32 to vector<16xf32>
    %mul3A_177 = arith.mulf %add3A_174, %mul3A_176 : vector<16xf32>
    %add3A_178 = arith.constant 1.760000e+02 : f32
    %add3A_179 = vector.broadcast %add3A_178 : f32 to vector<16xf32>
    %add3A_180 = arith.addf %convert_element_type3A, %add3A_179 : vector<16xf32>
    %mul3A_181 = arith.constant 0.00448430516 : f32
    %mul3A_182 = vector.broadcast %mul3A_181 : f32 to vector<16xf32>
    %mul3A_183 = arith.mulf %add3A_180, %mul3A_182 : vector<16xf32>
    %add3A_184 = arith.constant 1.920000e+02 : f32
    %add3A_185 = vector.broadcast %add3A_184 : f32 to vector<16xf32>
    %add3A_186 = arith.addf %convert_element_type3A, %add3A_185 : vector<16xf32>
    %mul3A_187 = arith.constant 0.00448430516 : f32
    %mul3A_188 = vector.broadcast %mul3A_187 : f32 to vector<16xf32>
    %mul3A_189 = arith.mulf %add3A_186, %mul3A_188 : vector<16xf32>
    %add3A_190 = arith.constant 2.080000e+02 : f32
    %add3A_191 = vector.broadcast %add3A_190 : f32 to vector<16xf32>
    %add3A_192 = arith.addf %convert_element_type3A, %add3A_191 : vector<16xf32>
    %mul3A_193 = arith.constant 0.00448430516 : f32
    %mul3A_194 = vector.broadcast %mul3A_193 : f32 to vector<16xf32>
    %mul3A_195 = arith.mulf %add3A_192, %mul3A_194 : vector<16xf32>
    %parallel_loop3A_196 = arith.constant 0 : i32
    %parallel_loop3A_197 = arith.constant 28 : i32
    %parallel_loop3A_198 = arith.constant 1 : i32
    %parallel_loop3A_199 = arith.constant 0.00448430516 : f32
    scf.for %parallel_loop3A_200 = %parallel_loop3A_196 to %parallel_loop3A_197 step %parallel_loop3A_198  : i32 {
      %parallel_loop3A_201 = arith.addi %mul3A_50, %parallel_loop3A_200 : i32
      %parallel_loop3A_202 = arith.addi %mul3A_32, %parallel_loop3A_200 : i32
      %parallel_loop3A_203 = arith.sitofp %parallel_loop3A_202 : i32 to f32
      %parallel_loop3A_204 = arith.mulf %parallel_loop3A_203, %parallel_loop3A_199 : f32
      %parallel_loop3A_205 = arith.constant 1.000000e+00 : f32
      %parallel_loop3A_206 = vector.broadcast %parallel_loop3A_205 : f32 to vector<16xf32>
      %parallel_loop3A_207 = vector.broadcast %parallel_loop3A_204 : f32 to vector<16xf32>
      %parallel_loop3A_208 = arith.mulf %parallel_loop3A_206, %parallel_loop3A_207 : vector<16xf32>
      %parallel_loop3A_209 = arith.index_cast %parallel_loop3A_201 : i32 to index
      %parallel_loop3A_210 = arith.constant 0 : index
      %parallel_loop3A_211 = tpu.vector_load %arg8[%parallel_loop3A_209, %parallel_loop3A_210] {strides = array<i32>} : memref<32x224xi32, #tpu.memory_space<vmem>>, vector<16xi32>,
      %parallel_loop3A_212 = arith.index_cast %parallel_loop3A_201 : i32 to index
      %parallel_loop3A_213 = arith.constant 0 : index
      %parallel_loop3A_214 = tpu.vector_load %arg5[%parallel_loop3A_212, %parallel_loop3A_213] {strides = array<i32>} : memref<32x224xf32, #tpu.memory_space<vmem>>, vector<16xf32>,
      tpu.vector_store_idx %arg9[%parallel_loop3A_211, %mul3A_109], %parallel_loop3A_214 {add = true} : memref<200x128xf32, #tpu.memory_space<vmem>>[vector<16xi32>, vector<16xi32>], vector<16xf32>,
      %parallel_loop3A_215 = arith.constant 1 : i32
      %parallel_loop3A_216 = vector.broadcast %parallel_loop3A_215 : i32 to vector<16xi32>
      %parallel_loop3A_217 = arith.addi %mul3A_109, %parallel_loop3A_216 : vector<16xi32>
      %parallel_loop3A_218 = arith.index_cast %parallel_loop3A_201 : i32 to index
      %parallel_loop3A_219 = arith.constant 0 : index
      %parallel_loop3A_220 = tpu.vector_load %arg6[%parallel_loop3A_218, %parallel_loop3A_219] {strides = array<i32>} : memref<32x224xf32, #tpu.memory_space<vmem>>, vector<16xf32>,
      tpu.vector_store_idx %arg9[%parallel_loop3A_211, %parallel_loop3A_217], %parallel_loop3A_220 {add = true} : memref<200x128xf32, #tpu.memory_space<vmem>>[vector<16xi32>, vector<16xi32>], vector<16xf32>,
      %parallel_loop3A_221 = arith.constant 2 : i32
      %parallel_loop3A_222 = vector.broadcast %parallel_loop3A_221 : i32 to vector<16xi32>
      %parallel_loop3A_223 = arith.addi %mul3A_109, %parallel_loop3A_222 : vector<16xi32>
      %parallel_loop3A_224 = arith.index_cast %parallel_loop3A_201 : i32 to index
      %parallel_loop3A_225 = arith.constant 0 : index
      %parallel_loop3A_226 = tpu.vector_load %arg7[%parallel_loop3A_224, %parallel_loop3A_225] {strides = array<i32>} : memref<32x224xf32, #tpu.memory_space<vmem>>, vector<16xf32>,
      tpu.vector_store_idx %arg9[%parallel_loop3A_211, %parallel_loop3A_223], %parallel_loop3A_226 {add = true} : memref<200x128xf32, #tpu.memory_space<vmem>>[vector<16xi32>, vector<16xi32>], vector<16xf32>,
      %parallel_loop3A_227 = arith.constant 3 : i32
      %parallel_loop3A_228 = vector.broadcast %parallel_loop3A_227 : i32 to vector<16xi32>
      %parallel_loop3A_229 = arith.addi %mul3A_109, %parallel_loop3A_228 : vector<16xi32>
      tpu.vector_store_idx %arg9[%parallel_loop3A_211, %parallel_loop3A_229], %mul3A_117 {add = true} : memref<200x128xf32, #tpu.memory_space<vmem>>[vector<16xi32>, vector<16xi32>], vector<16xf32>,
      %parallel_loop3A_230 = arith.constant 4 : i32
      %parallel_loop3A_231 = vector.broadcast %parallel_loop3A_230 : i32 to vector<16xi32>
      %parallel_loop3A_232 = arith.addi %mul3A_109, %parallel_loop3A_231 : vector<16xi32>
      tpu.vector_store_idx %arg9[%parallel_loop3A_211, %parallel_loop3A_232], %parallel_loop3A_208 {add = true} : memref<200x128xf32, #tpu.memory_space<vmem>>[vector<16xi32>, vector<16xi32>], vector<16xf32>,
      %parallel_loop3A_233 = arith.constant 5 : i32
      %parallel_loop3A_234 = vector.broadcast %parallel_loop3A_233 : i32 to vector<16xi32>
      %parallel_loop3A_235 = arith.addi %mul3A_109, %parallel_loop3A_234 : vector<16xi32>
      tpu.vector_store_idx %arg9[%parallel_loop3A_211, %parallel_loop3A_235], %broadcast_in_dim3A_111 {add = true} : memref<200x128xf32, #tpu.memory_space<vmem>>[vector<16xi32>, vector<16xi32>], vector<16xf32>,
      %parallel_loop3A_236 = arith.index_cast %parallel_loop3A_201 : i32 to index
      %parallel_loop3A_237 = arith.constant 16 : index
      %parallel_loop3A_238 = tpu.vector_load %arg8[%parallel_loop3A_236, %parallel_loop3A_237] {strides = array<i32>} : memref<32x224xi32, #tpu.memory_space<vmem>>, vector<16xi32>,
      %parallel_loop3A_239 = arith.index_cast %parallel_loop3A_201 : i32 to index
      %parallel_loop3A_240 = arith.constant 16 : index
      %parallel_loop3A_241 = tpu.vector_load %arg5[%parallel_loop3A_239, %parallel_loop3A_240] {strides = array<i32>} : memref<32x224xf32, #tpu.memory_space<vmem>>, vector<16xf32>,
      tpu.vector_store_idx %arg9[%parallel_loop3A_238, %mul3A_109], %parallel_loop3A_241 {add = true} : memref<200x128xf32, #tpu.memory_space<vmem>>[vector<16xi32>, vector<16xi32>], vector<16xf32>,
      %parallel_loop3A_242 = arith.constant 1 : i32
      %parallel_loop3A_243 = vector.broadcast %parallel_loop3A_242 : i32 to vector<16xi32>
      %parallel_loop3A_244 = arith.addi %mul3A_109, %parallel_loop3A_243 : vector<16xi32>
      %parallel_loop3A_245 = arith.index_cast %parallel_loop3A_201 : i32 to index
      %parallel_loop3A_246 = arith.constant 16 : index
      %parallel_loop3A_247 = tpu.vector_load %arg6[%parallel_loop3A_245, %parallel_loop3A_246] {strides = array<i32>} : memref<32x224xf32, #tpu.memory_space<vmem>>, vector<16xf32>,
      tpu.vector_store_idx %arg9[%parallel_loop3A_238, %parallel_loop3A_244], %parallel_loop3A_247 {add = true} : memref<200x128xf32, #tpu.memory_space<vmem>>[vector<16xi32>, vector<16xi32>], vector<16xf32>,
      %parallel_loop3A_248 = arith.constant 2 : i32
      %parallel_loop3A_249 = vector.broadcast %parallel_loop3A_248 : i32 to vector<16xi32>
      %parallel_loop3A_250 = arith.addi %mul3A_109, %parallel_loop3A_249 : vector<16xi32>
      %parallel_loop3A_251 = arith.index_cast %parallel_loop3A_201 : i32 to index
      %parallel_loop3A_252 = arith.constant 16 : index
      %parallel_loop3A_253 = tpu.vector_load %arg7[%parallel_loop3A_251, %parallel_loop3A_252] {strides = array<i32>} : memref<32x224xf32, #tpu.memory_space<vmem>>, vector<16xf32>,
      tpu.vector_store_idx %arg9[%parallel_loop3A_238, %parallel_loop3A_250], %parallel_loop3A_253 {add = true} : memref<200x128xf32, #tpu.memory_space<vmem>>[vector<16xi32>, vector<16xi32>], vector<16xf32>,
      %parallel_loop3A_254 = arith.constant 3 : i32
      %parallel_loop3A_255 = vector.broadcast %parallel_loop3A_254 : i32 to vector<16xi32>
      %parallel_loop3A_256 = arith.addi %mul3A_109, %parallel_loop3A_255 : vector<16xi32>
      tpu.vector_store_idx %arg9[%parallel_loop3A_238, %parallel_loop3A_256], %mul3A_123 {add = true} : memref<200x128xf32, #tpu.memory_space<vmem>>[vector<16xi32>, vector<16xi32>], vector<16xf32>,
      %parallel_loop3A_257 = arith.constant 4 : i32
      %parallel_loop3A_258 = vector.broadcast %parallel_loop3A_257 : i32 to vector<16xi32>
      %parallel_loop3A_259 = arith.addi %mul3A_109, %parallel_loop3A_258 : vector<16xi32>
      tpu.vector_store_idx %arg9[%parallel_loop3A_238, %parallel_loop3A_259], %parallel_loop3A_208 {add = true} : memref<200x128xf32, #tpu.memory_space<vmem>>[vector<16xi32>, vector<16xi32>], vector<16xf32>,
      %parallel_loop3A_260 = arith.constant 5 : i32
      %parallel_loop3A_261 = vector.broadcast %parallel_loop3A_260 : i32 to vector<16xi32>
      %parallel_loop3A_262 = arith.addi %mul3A_109, %parallel_loop3A_261 : vector<16xi32>
      tpu.vector_store_idx %arg9[%parallel_loop3A_238, %parallel_loop3A_262], %broadcast_in_dim3A_111 {add = true} : memref<200x128xf32, #tpu.memory_space<vmem>>[vector<16xi32>, vector<16xi32>], vector<16xf32>,
      %parallel_loop3A_263 = arith.index_cast %parallel_loop3A_201 : i32 to index
      %parallel_loop3A_264 = arith.constant 32 : index
      %parallel_loop3A_265 = tpu.vector_load %arg8[%parallel_loop3A_263, %parallel_loop3A_264] {strides = array<i32>} : memref<32x224xi32, #tpu.memory_space<vmem>>, vector<16xi32>,
      %parallel_loop3A_266 = arith.index_cast %parallel_loop3A_201 : i32 to index
      %parallel_loop3A_267 = arith.constant 32 : index
      %parallel_loop3A_268 = tpu.vector_load %arg5[%parallel_loop3A_266, %parallel_loop3A_267] {strides = array<i32>} : memref<32x224xf32, #tpu.memory_space<vmem>>, vector<16xf32>,
      tpu.vector_store_idx %arg9[%parallel_loop3A_265, %mul3A_109], %parallel_loop3A_268 {add = true} : memref<200x128xf32, #tpu.memory_space<vmem>>[vector<16xi32>, vector<16xi32>], vector<16xf32>,
      %parallel_loop3A_269 = arith.constant 1 : i32
      %parallel_loop3A_270 = vector.broadcast %parallel_loop3A_269 : i32 to vector<16xi32>
      %parallel_loop3A_271 = arith.addi %mul3A_109, %parallel_loop3A_270 : vector<16xi32>
      %parallel_loop3A_272 = arith.index_cast %parallel_loop3A_201 : i32 to index
      %parallel_loop3A_273 = arith.constant 32 : index
      %parallel_loop3A_274 = tpu.vector_load %arg6[%parallel_loop3A_272, %parallel_loop3A_273] {strides = array<i32>} : memref<32x224xf32, #tpu.memory_space<vmem>>, vector<16xf32>,
      tpu.vector_store_idx %arg9[%parallel_loop3A_265, %parallel_loop3A_271], %parallel_loop3A_274 {add = true} : memref<200x128xf32, #tpu.memory_space<vmem>>[vector<16xi32>, vector<16xi32>], vector<16xf32>,
      %parallel_loop3A_275 = arith.constant 2 : i32
      %parallel_loop3A_276 = vector.broadcast %parallel_loop3A_275 : i32 to vector<16xi32>
      %parallel_loop3A_277 = arith.addi %mul3A_109, %parallel_loop3A_276 : vector<16xi32>
      %parallel_loop3A_278 = arith.index_cast %parallel_loop3A_201 : i32 to index
      %parallel_loop3A_279 = arith.constant 32 : index
      %parallel_loop3A_280 = tpu.vector_load %arg7[%parallel_loop3A_278, %parallel_loop3A_279] {strides = array<i32>} : memref<32x224xf32, #tpu.memory_space<vmem>>, vector<16xf32>,
      tpu.vector_store_idx %arg9[%parallel_loop3A_265, %parallel_loop3A_277], %parallel_loop3A_280 {add = true} : memref<200x128xf32, #tpu.memory_space<vmem>>[vector<16xi32>, vector<16xi32>], vector<16xf32>,
      %parallel_loop3A_281 = arith.constant 3 : i32
      %parallel_loop3A_282 = vector.broadcast %parallel_loop3A_281 : i32 to vector<16xi32>
      %parallel_loop3A_283 = arith.addi %mul3A_109, %parallel_loop3A_282 : vector<16xi32>
      tpu.vector_store_idx %arg9[%parallel_loop3A_265, %parallel_loop3A_283], %mul3A_129 {add = true} : memref<200x128xf32, #tpu.memory_space<vmem>>[vector<16xi32>, vector<16xi32>], vector<16xf32>,
      %parallel_loop3A_284 = arith.constant 4 : i32
      %parallel_loop3A_285 = vector.broadcast %parallel_loop3A_284 : i32 to vector<16xi32>
      %parallel_loop3A_286 = arith.addi %mul3A_109, %parallel_loop3A_285 : vector<16xi32>
      tpu.vector_store_idx %arg9[%parallel_loop3A_265, %parallel_loop3A_286], %parallel_loop3A_208 {add = true} : memref<200x128xf32, #tpu.memory_space<vmem>>[vector<16xi32>, vector<16xi32>], vector<16xf32>,
      %parallel_loop3A_287 = arith.constant 5 : i32
      %parallel_loop3A_288 = vector.broadcast %parallel_loop3A_287 : i32 to vector<16xi32>
      %parallel_loop3A_289 = arith.addi %mul3A_109, %parallel_loop3A_288 : vector<16xi32>
      tpu.vector_store_idx %arg9[%parallel_loop3A_265, %parallel_loop3A_289], %broadcast_in_dim3A_111 {add = true} : memref<200x128xf32, #tpu.memory_space<vmem>>[vector<16xi32>, vector<16xi32>], vector<16xf32>,
      %parallel_loop3A_290 = arith.index_cast %parallel_loop3A_201 : i32 to index
      %parallel_loop3A_291 = arith.constant 48 : index
      %parallel_loop3A_292 = tpu.vector_load %arg8[%parallel_loop3A_290, %parallel_loop3A_291] {strides = array<i32>} : memref<32x224xi32, #tpu.memory_space<vmem>>, vector<16xi32>,
      %parallel_loop3A_293 = arith.index_cast %parallel_loop3A_201 : i32 to index
      %parallel_loop3A_294 = arith.constant 48 : index
      %parallel_loop3A_295 = tpu.vector_load %arg5[%parallel_loop3A_293, %parallel_loop3A_294] {strides = array<i32>} : memref<32x224xf32, #tpu.memory_space<vmem>>, vector<16xf32>,
      tpu.vector_store_idx %arg9[%parallel_loop3A_292, %mul3A_109], %parallel_loop3A_295 {add = true} : memref<200x128xf32, #tpu.memory_space<vmem>>[vector<16xi32>, vector<16xi32>], vector<16xf32>,
      %parallel_loop3A_296 = arith.constant 1 : i32
      %parallel_loop3A_297 = vector.broadcast %parallel_loop3A_296 : i32 to vector<16xi32>
      %parallel_loop3A_298 = arith.addi %mul3A_109, %parallel_loop3A_297 : vector<16xi32>
      %parallel_loop3A_299 = arith.index_cast %parallel_loop3A_201 : i32 to index
      %parallel_loop3A_300 = arith.constant 48 : index
      %parallel_loop3A_301 = tpu.vector_load %arg6[%parallel_loop3A_299, %parallel_loop3A_300] {strides = array<i32>} : memref<32x224xf32, #tpu.memory_space<vmem>>, vector<16xf32>,
      tpu.vector_store_idx %arg9[%parallel_loop3A_292, %parallel_loop3A_298], %parallel_loop3A_301 {add = true} : memref<200x128xf32, #tpu.memory_space<vmem>>[vector<16xi32>, vector<16xi32>], vector<16xf32>,
      %parallel_loop3A_302 = arith.constant 2 : i32
      %parallel_loop3A_303 = vector.broadcast %parallel_loop3A_302 : i32 to vector<16xi32>
      %parallel_loop3A_304 = arith.addi %mul3A_109, %parallel_loop3A_303 : vector<16xi32>
      %parallel_loop3A_305 = arith.index_cast %parallel_loop3A_201 : i32 to index
      %parallel_loop3A_306 = arith.constant 48 : index
      %parallel_loop3A_307 = tpu.vector_load %arg7[%parallel_loop3A_305, %parallel_loop3A_306] {strides = array<i32>} : memref<32x224xf32, #tpu.memory_space<vmem>>, vector<16xf32>,
      tpu.vector_store_idx %arg9[%parallel_loop3A_292, %parallel_loop3A_304], %parallel_loop3A_307 {add = true} : memref<200x128xf32, #tpu.memory_space<vmem>>[vector<16xi32>, vector<16xi32>], vector<16xf32>,
      %parallel_loop3A_308 = arith.constant 3 : i32
      %parallel_loop3A_309 = vector.broadcast %parallel_loop3A_308 : i32 to vector<16xi32>
      %parallel_loop3A_310 = arith.addi %mul3A_109, %parallel_loop3A_309 : vector<16xi32>
      tpu.vector_store_idx %arg9[%parallel_loop3A_292, %parallel_loop3A_310], %mul3A_135 {add = true} : memref<200x128xf32, #tpu.memory_space<vmem>>[vector<16xi32>, vector<16xi32>], vector<16xf32>,
      %parallel_loop3A_311 = arith.constant 4 : i32
      %parallel_loop3A_312 = vector.broadcast %parallel_loop3A_311 : i32 to vector<16xi32>
      %parallel_loop3A_313 = arith.addi %mul3A_109, %parallel_loop3A_312 : vector<16xi32>
      tpu.vector_store_idx %arg9[%parallel_loop3A_292, %parallel_loop3A_313], %parallel_loop3A_208 {add = true} : memref<200x128xf32, #tpu.memory_space<vmem>>[vector<16xi32>, vector<16xi32>], vector<16xf32>,
      %parallel_loop3A_314 = arith.constant 5 : i32
      %parallel_loop3A_315 = vector.broadcast %parallel_loop3A_314 : i32 to vector<16xi32>
      %parallel_loop3A_316 = arith.addi %mul3A_109, %parallel_loop3A_315 : vector<16xi32>
      tpu.vector_store_idx %arg9[%parallel_loop3A_292, %parallel_loop3A_316], %broadcast_in_dim3A_111 {add = true} : memref<200x128xf32, #tpu.memory_space<vmem>>[vector<16xi32>, vector<16xi32>], vector<16xf32>,
      %parallel_loop3A_317 = arith.index_cast %parallel_loop3A_201 : i32 to index
      %parallel_loop3A_318 = arith.constant 64 : index
      %parallel_loop3A_319 = tpu.vector_load %arg8[%parallel_loop3A_317, %parallel_loop3A_318] {strides = array<i32>} : memref<32x224xi32, #tpu.memory_space<vmem>>, vector<16xi32>,
      %parallel_loop3A_320 = arith.index_cast %parallel_loop3A_201 : i32 to index
      %parallel_loop3A_321 = arith.constant 64 : index
      %parallel_loop3A_322 = tpu.vector_load %arg5[%parallel_loop3A_320, %parallel_loop3A_321] {strides = array<i32>} : memref<32x224xf32, #tpu.memory_space<vmem>>, vector<16xf32>,
      tpu.vector_store_idx %arg9[%parallel_loop3A_319, %mul3A_109], %parallel_loop3A_322 {add = true} : memref<200x128xf32, #tpu.memory_space<vmem>>[vector<16xi32>, vector<16xi32>], vector<16xf32>,
      %parallel_loop3A_323 = arith.constant 1 : i32
      %parallel_loop3A_324 = vector.broadcast %parallel_loop3A_323 : i32 to vector<16xi32>
      %parallel_loop3A_325 = arith.addi %mul3A_109, %parallel_loop3A_324 : vector<16xi32>
      %parallel_loop3A_326 = arith.index_cast %parallel_loop3A_201 : i32 to index
      %parallel_loop3A_327 = arith.constant 64 : index
      %parallel_loop3A_328 = tpu.vector_load %arg6[%parallel_loop3A_326, %parallel_loop3A_327] {strides = array<i32>} : memref<32x224xf32, #tpu.memory_space<vmem>>, vector<16xf32>,
      tpu.vector_store_idx %arg9[%parallel_loop3A_319, %parallel_loop3A_325], %parallel_loop3A_328 {add = true} : memref<200x128xf32, #tpu.memory_space<vmem>>[vector<16xi32>, vector<16xi32>], vector<16xf32>,
      %parallel_loop3A_329 = arith.constant 2 : i32
      %parallel_loop3A_330 = vector.broadcast %parallel_loop3A_329 : i32 to vector<16xi32>
      %parallel_loop3A_331 = arith.addi %mul3A_109, %parallel_loop3A_330 : vector<16xi32>
      %parallel_loop3A_332 = arith.index_cast %parallel_loop3A_201 : i32 to index
      %parallel_loop3A_333 = arith.constant 64 : index
      %parallel_loop3A_334 = tpu.vector_load %arg7[%parallel_loop3A_332, %parallel_loop3A_333] {strides = array<i32>} : memref<32x224xf32, #tpu.memory_space<vmem>>, vector<16xf32>,
      tpu.vector_store_idx %arg9[%parallel_loop3A_319, %parallel_loop3A_331], %parallel_loop3A_334 {add = true} : memref<200x128xf32, #tpu.memory_space<vmem>>[vector<16xi32>, vector<16xi32>], vector<16xf32>,
      %parallel_loop3A_335 = arith.constant 3 : i32
      %parallel_loop3A_336 = vector.broadcast %parallel_loop3A_335 : i32 to vector<16xi32>
      %parallel_loop3A_337 = arith.addi %mul3A_109, %parallel_loop3A_336 : vector<16xi32>
      tpu.vector_store_idx %arg9[%parallel_loop3A_319, %parallel_loop3A_337], %mul3A_141 {add = true} : memref<200x128xf32, #tpu.memory_space<vmem>>[vector<16xi32>, vector<16xi32>], vector<16xf32>,
      %parallel_loop3A_338 = arith.constant 4 : i32
      %parallel_loop3A_339 = vector.broadcast %parallel_loop3A_338 : i32 to vector<16xi32>
      %parallel_loop3A_340 = arith.addi %mul3A_109, %parallel_loop3A_339 : vector<16xi32>
      tpu.vector_store_idx %arg9[%parallel_loop3A_319, %parallel_loop3A_340], %parallel_loop3A_208 {add = true} : memref<200x128xf32, #tpu.memory_space<vmem>>[vector<16xi32>, vector<16xi32>], vector<16xf32>,
      %parallel_loop3A_341 = arith.constant 5 : i32
      %parallel_loop3A_342 = vector.broadcast %parallel_loop3A_341 : i32 to vector<16xi32>
      %parallel_loop3A_343 = arith.addi %mul3A_109, %parallel_loop3A_342 : vector<16xi32>
      tpu.vector_store_idx %arg9[%parallel_loop3A_319, %parallel_loop3A_343], %broadcast_in_dim3A_111 {add = true} : memref<200x128xf32, #tpu.memory_space<vmem>>[vector<16xi32>, vector<16xi32>], vector<16xf32>,
      %parallel_loop3A_344 = arith.index_cast %parallel_loop3A_201 : i32 to index
      %parallel_loop3A_345 = arith.constant 80 : index
      %parallel_loop3A_346 = tpu.vector_load %arg8[%parallel_loop3A_344, %parallel_loop3A_345] {strides = array<i32>} : memref<32x224xi32, #tpu.memory_space<vmem>>, vector<16xi32>,
      %parallel_loop3A_347 = arith.index_cast %parallel_loop3A_201 : i32 to index
      %parallel_loop3A_348 = arith.constant 80 : index
      %parallel_loop3A_349 = tpu.vector_load %arg5[%parallel_loop3A_347, %parallel_loop3A_348] {strides = array<i32>} : memref<32x224xf32, #tpu.memory_space<vmem>>, vector<16xf32>,
      tpu.vector_store_idx %arg9[%parallel_loop3A_346, %mul3A_109], %parallel_loop3A_349 {add = true} : memref<200x128xf32, #tpu.memory_space<vmem>>[vector<16xi32>, vector<16xi32>], vector<16xf32>,
      %parallel_loop3A_350 = arith.constant 1 : i32
      %parallel_loop3A_351 = vector.broadcast %parallel_loop3A_350 : i32 to vector<16xi32>
      %parallel_loop3A_352 = arith.addi %mul3A_109, %parallel_loop3A_351 : vector<16xi32>
      %parallel_loop3A_353 = arith.index_cast %parallel_loop3A_201 : i32 to index
      %parallel_loop3A_354 = arith.constant 80 : index
      %parallel_loop3A_355 = tpu.vector_load %arg6[%parallel_loop3A_353, %parallel_loop3A_354] {strides = array<i32>} : memref<32x224xf32, #tpu.memory_space<vmem>>, vector<16xf32>,
      tpu.vector_store_idx %arg9[%parallel_loop3A_346, %parallel_loop3A_352], %parallel_loop3A_355 {add = true} : memref<200x128xf32, #tpu.memory_space<vmem>>[vector<16xi32>, vector<16xi32>], vector<16xf32>,
      %parallel_loop3A_356 = arith.constant 2 : i32
      %parallel_loop3A_357 = vector.broadcast %parallel_loop3A_356 : i32 to vector<16xi32>
      %parallel_loop3A_358 = arith.addi %mul3A_109, %parallel_loop3A_357 : vector<16xi32>
      %parallel_loop3A_359 = arith.index_cast %parallel_loop3A_201 : i32 to index
      %parallel_loop3A_360 = arith.constant 80 : index
      %parallel_loop3A_361 = tpu.vector_load %arg7[%parallel_loop3A_359, %parallel_loop3A_360] {strides = array<i32>} : memref<32x224xf32, #tpu.memory_space<vmem>>, vector<16xf32>,
      tpu.vector_store_idx %arg9[%parallel_loop3A_346, %parallel_loop3A_358], %parallel_loop3A_361 {add = true} : memref<200x128xf32, #tpu.memory_space<vmem>>[vector<16xi32>, vector<16xi32>], vector<16xf32>,
      %parallel_loop3A_362 = arith.constant 3 : i32
      %parallel_loop3A_363 = vector.broadcast %parallel_loop3A_362 : i32 to vector<16xi32>
      %parallel_loop3A_364 = arith.addi %mul3A_109, %parallel_loop3A_363 : vector<16xi32>
      tpu.vector_store_idx %arg9[%parallel_loop3A_346, %parallel_loop3A_364], %mul3A_147 {add = true} : memref<200x128xf32, #tpu.memory_space<vmem>>[vector<16xi32>, vector<16xi32>], vector<16xf32>,
      %parallel_loop3A_365 = arith.constant 4 : i32
      %parallel_loop3A_366 = vector.broadcast %parallel_loop3A_365 : i32 to vector<16xi32>
      %parallel_loop3A_367 = arith.addi %mul3A_109, %parallel_loop3A_366 : vector<16xi32>
      tpu.vector_store_idx %arg9[%parallel_loop3A_346, %parallel_loop3A_367], %parallel_loop3A_208 {add = true} : memref<200x128xf32, #tpu.memory_space<vmem>>[vector<16xi32>, vector<16xi32>], vector<16xf32>,
      %parallel_loop3A_368 = arith.constant 5 : i32
      %parallel_loop3A_369 = vector.broadcast %parallel_loop3A_368 : i32 to vector<16xi32>
      %parallel_loop3A_370 = arith.addi %mul3A_109, %parallel_loop3A_369 : vector<16xi32>
      tpu.vector_store_idx %arg9[%parallel_loop3A_346, %parallel_loop3A_370], %broadcast_in_dim3A_111 {add = true} : memref<200x128xf32, #tpu.memory_space<vmem>>[vector<16xi32>, vector<16xi32>], vector<16xf32>,
      %parallel_loop3A_371 = arith.index_cast %parallel_loop3A_201 : i32 to index
      %parallel_loop3A_372 = arith.constant 96 : index
      %parallel_loop3A_373 = tpu.vector_load %arg8[%parallel_loop3A_371, %parallel_loop3A_372] {strides = array<i32>} : memref<32x224xi32, #tpu.memory_space<vmem>>, vector<16xi32>,
      %parallel_loop3A_374 = arith.index_cast %parallel_loop3A_201 : i32 to index
      %parallel_loop3A_375 = arith.constant 96 : index
      %parallel_loop3A_376 = tpu.vector_load %arg5[%parallel_loop3A_374, %parallel_loop3A_375] {strides = array<i32>} : memref<32x224xf32, #tpu.memory_space<vmem>>, vector<16xf32>,
      tpu.vector_store_idx %arg9[%parallel_loop3A_373, %mul3A_109], %parallel_loop3A_376 {add = true} : memref<200x128xf32, #tpu.memory_space<vmem>>[vector<16xi32>, vector<16xi32>], vector<16xf32>,
      %parallel_loop3A_377 = arith.constant 1 : i32
      %parallel_loop3A_378 = vector.broadcast %parallel_loop3A_377 : i32 to vector<16xi32>
      %parallel_loop3A_379 = arith.addi %mul3A_109, %parallel_loop3A_378 : vector<16xi32>
      %parallel_loop3A_380 = arith.index_cast %parallel_loop3A_201 : i32 to index
      %parallel_loop3A_381 = arith.constant 96 : index
      %parallel_loop3A_382 = tpu.vector_load %arg6[%parallel_loop3A_380, %parallel_loop3A_381] {strides = array<i32>} : memref<32x224xf32, #tpu.memory_space<vmem>>, vector<16xf32>,
      tpu.vector_store_idx %arg9[%parallel_loop3A_373, %parallel_loop3A_379], %parallel_loop3A_382 {add = true} : memref<200x128xf32, #tpu.memory_space<vmem>>[vector<16xi32>, vector<16xi32>], vector<16xf32>,
      %parallel_loop3A_383 = arith.constant 2 : i32
      %parallel_loop3A_384 = vector.broadcast %parallel_loop3A_383 : i32 to vector<16xi32>
      %parallel_loop3A_385 = arith.addi %mul3A_109, %parallel_loop3A_384 : vector<16xi32>
      %parallel_loop3A_386 = arith.index_cast %parallel_loop3A_201 : i32 to index
      %parallel_loop3A_387 = arith.constant 96 : index
      %parallel_loop3A_388 = tpu.vector_load %arg7[%parallel_loop3A_386, %parallel_loop3A_387] {strides = array<i32>} : memref<32x224xf32, #tpu.memory_space<vmem>>, vector<16xf32>,
      tpu.vector_store_idx %arg9[%parallel_loop3A_373, %parallel_loop3A_385], %parallel_loop3A_388 {add = true} : memref<200x128xf32, #tpu.memory_space<vmem>>[vector<16xi32>, vector<16xi32>], vector<16xf32>,
      %parallel_loop3A_389 = arith.constant 3 : i32
      %parallel_loop3A_390 = vector.broadcast %parallel_loop3A_389 : i32 to vector<16xi32>
      %parallel_loop3A_391 = arith.addi %mul3A_109, %parallel_loop3A_390 : vector<16xi32>
      tpu.vector_store_idx %arg9[%parallel_loop3A_373, %parallel_loop3A_391], %mul3A_153 {add = true} : memref<200x128xf32, #tpu.memory_space<vmem>>[vector<16xi32>, vector<16xi32>], vector<16xf32>,
      %parallel_loop3A_392 = arith.constant 4 : i32
      %parallel_loop3A_393 = vector.broadcast %parallel_loop3A_392 : i32 to vector<16xi32>
      %parallel_loop3A_394 = arith.addi %mul3A_109, %parallel_loop3A_393 : vector<16xi32>
      tpu.vector_store_idx %arg9[%parallel_loop3A_373, %parallel_loop3A_394], %parallel_loop3A_208 {add = true} : memref<200x128xf32, #tpu.memory_space<vmem>>[vector<16xi32>, vector<16xi32>], vector<16xf32>,
      %parallel_loop3A_395 = arith.constant 5 : i32
      %parallel_loop3A_396 = vector.broadcast %parallel_loop3A_395 : i32 to vector<16xi32>
      %parallel_loop3A_397 = arith.addi %mul3A_109, %parallel_loop3A_396 : vector<16xi32>
      tpu.vector_store_idx %arg9[%parallel_loop3A_373, %parallel_loop3A_397], %broadcast_in_dim3A_111 {add = true} : memref<200x128xf32, #tpu.memory_space<vmem>>[vector<16xi32>, vector<16xi32>], vector<16xf32>,
      %parallel_loop3A_398 = arith.index_cast %parallel_loop3A_201 : i32 to index
      %parallel_loop3A_399 = arith.constant 112 : index
      %parallel_loop3A_400 = tpu.vector_load %arg8[%parallel_loop3A_398, %parallel_loop3A_399] {strides = array<i32>} : memref<32x224xi32, #tpu.memory_space<vmem>>, vector<16xi32>,
      %parallel_loop3A_401 = arith.index_cast %parallel_loop3A_201 : i32 to index
      %parallel_loop3A_402 = arith.constant 112 : index
      %parallel_loop3A_403 = tpu.vector_load %arg5[%parallel_loop3A_401, %parallel_loop3A_402] {strides = array<i32>} : memref<32x224xf32, #tpu.memory_space<vmem>>, vector<16xf32>,
      tpu.vector_store_idx %arg9[%parallel_loop3A_400, %mul3A_109], %parallel_loop3A_403 {add = true} : memref<200x128xf32, #tpu.memory_space<vmem>>[vector<16xi32>, vector<16xi32>], vector<16xf32>,
      %parallel_loop3A_404 = arith.constant 1 : i32
      %parallel_loop3A_405 = vector.broadcast %parallel_loop3A_404 : i32 to vector<16xi32>
      %parallel_loop3A_406 = arith.addi %mul3A_109, %parallel_loop3A_405 : vector<16xi32>
      %parallel_loop3A_407 = arith.index_cast %parallel_loop3A_201 : i32 to index
      %parallel_loop3A_408 = arith.constant 112 : index
      %parallel_loop3A_409 = tpu.vector_load %arg6[%parallel_loop3A_407, %parallel_loop3A_408] {strides = array<i32>} : memref<32x224xf32, #tpu.memory_space<vmem>>, vector<16xf32>,
      tpu.vector_store_idx %arg9[%parallel_loop3A_400, %parallel_loop3A_406], %parallel_loop3A_409 {add = true} : memref<200x128xf32, #tpu.memory_space<vmem>>[vector<16xi32>, vector<16xi32>], vector<16xf32>,
      %parallel_loop3A_410 = arith.constant 2 : i32
      %parallel_loop3A_411 = vector.broadcast %parallel_loop3A_410 : i32 to vector<16xi32>
      %parallel_loop3A_412 = arith.addi %mul3A_109, %parallel_loop3A_411 : vector<16xi32>
      %parallel_loop3A_413 = arith.index_cast %parallel_loop3A_201 : i32 to index
      %parallel_loop3A_414 = arith.constant 112 : index
      %parallel_loop3A_415 = tpu.vector_load %arg7[%parallel_loop3A_413, %parallel_loop3A_414] {strides = array<i32>} : memref<32x224xf32, #tpu.memory_space<vmem>>, vector<16xf32>,
      tpu.vector_store_idx %arg9[%parallel_loop3A_400, %parallel_loop3A_412], %parallel_loop3A_415 {add = true} : memref<200x128xf32, #tpu.memory_space<vmem>>[vector<16xi32>, vector<16xi32>], vector<16xf32>,
      %parallel_loop3A_416 = arith.constant 3 : i32
      %parallel_loop3A_417 = vector.broadcast %parallel_loop3A_416 : i32 to vector<16xi32>
      %parallel_loop3A_418 = arith.addi %mul3A_109, %parallel_loop3A_417 : vector<16xi32>
      tpu.vector_store_idx %arg9[%parallel_loop3A_400, %parallel_loop3A_418], %mul3A_159 {add = true} : memref<200x128xf32, #tpu.memory_space<vmem>>[vector<16xi32>, vector<16xi32>], vector<16xf32>,
      %parallel_loop3A_419 = arith.constant 4 : i32
      %parallel_loop3A_420 = vector.broadcast %parallel_loop3A_419 : i32 to vector<16xi32>
      %parallel_loop3A_421 = arith.addi %mul3A_109, %parallel_loop3A_420 : vector<16xi32>
      tpu.vector_store_idx %arg9[%parallel_loop3A_400, %parallel_loop3A_421], %parallel_loop3A_208 {add = true} : memref<200x128xf32, #tpu.memory_space<vmem>>[vector<16xi32>, vector<16xi32>], vector<16xf32>,
      %parallel_loop3A_422 = arith.constant 5 : i32
      %parallel_loop3A_423 = vector.broadcast %parallel_loop3A_422 : i32 to vector<16xi32>
      %parallel_loop3A_424 = arith.addi %mul3A_109, %parallel_loop3A_423 : vector<16xi32>
      tpu.vector_store_idx %arg9[%parallel_loop3A_400, %parallel_loop3A_424], %broadcast_in_dim3A_111 {add = true} : memref<200x128xf32, #tpu.memory_space<vmem>>[vector<16xi32>, vector<16xi32>], vector<16xf32>,
      %parallel_loop3A_425 = arith.index_cast %parallel_loop3A_201 : i32 to index
      %parallel_loop3A_426 = arith.constant 128 : index
      %parallel_loop3A_427 = tpu.vector_load %arg8[%parallel_loop3A_425, %parallel_loop3A_426] {strides = array<i32>} : memref<32x224xi32, #tpu.memory_space<vmem>>, vector<16xi32>,
      %parallel_loop3A_428 = arith.index_cast %parallel_loop3A_201 : i32 to index
      %parallel_loop3A_429 = arith.constant 128 : index
      %parallel_loop3A_430 = tpu.vector_load %arg5[%parallel_loop3A_428, %parallel_loop3A_429] {strides = array<i32>} : memref<32x224xf32, #tpu.memory_space<vmem>>, vector<16xf32>,
      tpu.vector_store_idx %arg9[%parallel_loop3A_427, %mul3A_109], %parallel_loop3A_430 {add = true} : memref<200x128xf32, #tpu.memory_space<vmem>>[vector<16xi32>, vector<16xi32>], vector<16xf32>,
      %parallel_loop3A_431 = arith.constant 1 : i32
      %parallel_loop3A_432 = vector.broadcast %parallel_loop3A_431 : i32 to vector<16xi32>
      %parallel_loop3A_433 = arith.addi %mul3A_109, %parallel_loop3A_432 : vector<16xi32>
      %parallel_loop3A_434 = arith.index_cast %parallel_loop3A_201 : i32 to index
      %parallel_loop3A_435 = arith.constant 128 : index
      %parallel_loop3A_436 = tpu.vector_load %arg6[%parallel_loop3A_434, %parallel_loop3A_435] {strides = array<i32>} : memref<32x224xf32, #tpu.memory_space<vmem>>, vector<16xf32>,
      tpu.vector_store_idx %arg9[%parallel_loop3A_427, %parallel_loop3A_433], %parallel_loop3A_436 {add = true} : memref<200x128xf32, #tpu.memory_space<vmem>>[vector<16xi32>, vector<16xi32>], vector<16xf32>,
      %parallel_loop3A_437 = arith.constant 2 : i32
      %parallel_loop3A_438 = vector.broadcast %parallel_loop3A_437 : i32 to vector<16xi32>
      %parallel_loop3A_439 = arith.addi %mul3A_109, %parallel_loop3A_438 : vector<16xi32>
      %parallel_loop3A_440 = arith.index_cast %parallel_loop3A_201 : i32 to index
      %parallel_loop3A_441 = arith.constant 128 : index
      %parallel_loop3A_442 = tpu.vector_load %arg7[%parallel_loop3A_440, %parallel_loop3A_441] {strides = array<i32>} : memref<32x224xf32, #tpu.memory_space<vmem>>, vector<16xf32>,
      tpu.vector_store_idx %arg9[%parallel_loop3A_427, %parallel_loop3A_439], %parallel_loop3A_442 {add = true} : memref<200x128xf32, #tpu.memory_space<vmem>>[vector<16xi32>, vector<16xi32>], vector<16xf32>,
      %parallel_loop3A_443 = arith.constant 3 : i32
      %parallel_loop3A_444 = vector.broadcast %parallel_loop3A_443 : i32 to vector<16xi32>
      %parallel_loop3A_445 = arith.addi %mul3A_109, %parallel_loop3A_444 : vector<16xi32>
      tpu.vector_store_idx %arg9[%parallel_loop3A_427, %parallel_loop3A_445], %mul3A_165 {add = true} : memref<200x128xf32, #tpu.memory_space<vmem>>[vector<16xi32>, vector<16xi32>], vector<16xf32>,
      %parallel_loop3A_446 = arith.constant 4 : i32
      %parallel_loop3A_447 = vector.broadcast %parallel_loop3A_446 : i32 to vector<16xi32>
      %parallel_loop3A_448 = arith.addi %mul3A_109, %parallel_loop3A_447 : vector<16xi32>
      tpu.vector_store_idx %arg9[%parallel_loop3A_427, %parallel_loop3A_448], %parallel_loop3A_208 {add = true} : memref<200x128xf32, #tpu.memory_space<vmem>>[vector<16xi32>, vector<16xi32>], vector<16xf32>,
      %parallel_loop3A_449 = arith.constant 5 : i32
      %parallel_loop3A_450 = vector.broadcast %parallel_loop3A_449 : i32 to vector<16xi32>
      %parallel_loop3A_451 = arith.addi %mul3A_109, %parallel_loop3A_450 : vector<16xi32>
      tpu.vector_store_idx %arg9[%parallel_loop3A_427, %parallel_loop3A_451], %broadcast_in_dim3A_111 {add = true} : memref<200x128xf32, #tpu.memory_space<vmem>>[vector<16xi32>, vector<16xi32>], vector<16xf32>,
      %parallel_loop3A_452 = arith.index_cast %parallel_loop3A_201 : i32 to index
      %parallel_loop3A_453 = arith.constant 144 : index
      %parallel_loop3A_454 = tpu.vector_load %arg8[%parallel_loop3A_452, %parallel_loop3A_453] {strides = array<i32>} : memref<32x224xi32, #tpu.memory_space<vmem>>, vector<16xi32>,
      %parallel_loop3A_455 = arith.index_cast %parallel_loop3A_201 : i32 to index
      %parallel_loop3A_456 = arith.constant 144 : index
      %parallel_loop3A_457 = tpu.vector_load %arg5[%parallel_loop3A_455, %parallel_loop3A_456] {strides = array<i32>} : memref<32x224xf32, #tpu.memory_space<vmem>>, vector<16xf32>,
      tpu.vector_store_idx %arg9[%parallel_loop3A_454, %mul3A_109], %parallel_loop3A_457 {add = true} : memref<200x128xf32, #tpu.memory_space<vmem>>[vector<16xi32>, vector<16xi32>], vector<16xf32>,
      %parallel_loop3A_458 = arith.constant 1 : i32
      %parallel_loop3A_459 = vector.broadcast %parallel_loop3A_458 : i32 to vector<16xi32>
      %parallel_loop3A_460 = arith.addi %mul3A_109, %parallel_loop3A_459 : vector<16xi32>
      %parallel_loop3A_461 = arith.index_cast %parallel_loop3A_201 : i32 to index
      %parallel_loop3A_462 = arith.constant 144 : index
      %parallel_loop3A_463 = tpu.vector_load %arg6[%parallel_loop3A_461, %parallel_loop3A_462] {strides = array<i32>} : memref<32x224xf32, #tpu.memory_space<vmem>>, vector<16xf32>,
      tpu.vector_store_idx %arg9[%parallel_loop3A_454, %parallel_loop3A_460], %parallel_loop3A_463 {add = true} : memref<200x128xf32, #tpu.memory_space<vmem>>[vector<16xi32>, vector<16xi32>], vector<16xf32>,
      %parallel_loop3A_464 = arith.constant 2 : i32
      %parallel_loop3A_465 = vector.broadcast %parallel_loop3A_464 : i32 to vector<16xi32>
      %parallel_loop3A_466 = arith.addi %mul3A_109, %parallel_loop3A_465 : vector<16xi32>
      %parallel_loop3A_467 = arith.index_cast %parallel_loop3A_201 : i32 to index
      %parallel_loop3A_468 = arith.constant 144 : index
      %parallel_loop3A_469 = tpu.vector_load %arg7[%parallel_loop3A_467, %parallel_loop3A_468] {strides = array<i32>} : memref<32x224xf32, #tpu.memory_space<vmem>>, vector<16xf32>,
      tpu.vector_store_idx %arg9[%parallel_loop3A_454, %parallel_loop3A_466], %parallel_loop3A_469 {add = true} : memref<200x128xf32, #tpu.memory_space<vmem>>[vector<16xi32>, vector<16xi32>], vector<16xf32>,
      %parallel_loop3A_470 = arith.constant 3 : i32
      %parallel_loop3A_471 = vector.broadcast %parallel_loop3A_470 : i32 to vector<16xi32>
      %parallel_loop3A_472 = arith.addi %mul3A_109, %parallel_loop3A_471 : vector<16xi32>
      tpu.vector_store_idx %arg9[%parallel_loop3A_454, %parallel_loop3A_472], %mul3A_171 {add = true} : memref<200x128xf32, #tpu.memory_space<vmem>>[vector<16xi32>, vector<16xi32>], vector<16xf32>,
      %parallel_loop3A_473 = arith.constant 4 : i32
      %parallel_loop3A_474 = vector.broadcast %parallel_loop3A_473 : i32 to vector<16xi32>
      %parallel_loop3A_475 = arith.addi %mul3A_109, %parallel_loop3A_474 : vector<16xi32>
      tpu.vector_store_idx %arg9[%parallel_loop3A_454, %parallel_loop3A_475], %parallel_loop3A_208 {add = true} : memref<200x128xf32, #tpu.memory_space<vmem>>[vector<16xi32>, vector<16xi32>], vector<16xf32>,
      %parallel_loop3A_476 = arith.constant 5 : i32
      %parallel_loop3A_477 = vector.broadcast %parallel_loop3A_476 : i32 to vector<16xi32>
      %parallel_loop3A_478 = arith.addi %mul3A_109, %parallel_loop3A_477 : vector<16xi32>
      tpu.vector_store_idx %arg9[%parallel_loop3A_454, %parallel_loop3A_478], %broadcast_in_dim3A_111 {add = true} : memref<200x128xf32, #tpu.memory_space<vmem>>[vector<16xi32>, vector<16xi32>], vector<16xf32>,
      %parallel_loop3A_479 = arith.index_cast %parallel_loop3A_201 : i32 to index
      %parallel_loop3A_480 = arith.constant 160 : index
      %parallel_loop3A_481 = tpu.vector_load %arg8[%parallel_loop3A_479, %parallel_loop3A_480] {strides = array<i32>} : memref<32x224xi32, #tpu.memory_space<vmem>>, vector<16xi32>,
      %parallel_loop3A_482 = arith.index_cast %parallel_loop3A_201 : i32 to index
      %parallel_loop3A_483 = arith.constant 160 : index
      %parallel_loop3A_484 = tpu.vector_load %arg5[%parallel_loop3A_482, %parallel_loop3A_483] {strides = array<i32>} : memref<32x224xf32, #tpu.memory_space<vmem>>, vector<16xf32>,
      tpu.vector_store_idx %arg9[%parallel_loop3A_481, %mul3A_109], %parallel_loop3A_484 {add = true} : memref<200x128xf32, #tpu.memory_space<vmem>>[vector<16xi32>, vector<16xi32>], vector<16xf32>,
      %parallel_loop3A_485 = arith.constant 1 : i32
      %parallel_loop3A_486 = vector.broadcast %parallel_loop3A_485 : i32 to vector<16xi32>
      %parallel_loop3A_487 = arith.addi %mul3A_109, %parallel_loop3A_486 : vector<16xi32>
      %parallel_loop3A_488 = arith.index_cast %parallel_loop3A_201 : i32 to index
      %parallel_loop3A_489 = arith.constant 160 : index
      %parallel_loop3A_490 = tpu.vector_load %arg6[%parallel_loop3A_488, %parallel_loop3A_489] {strides = array<i32>} : memref<32x224xf32, #tpu.memory_space<vmem>>, vector<16xf32>,
      tpu.vector_store_idx %arg9[%parallel_loop3A_481, %parallel_loop3A_487], %parallel_loop3A_490 {add = true} : memref<200x128xf32, #tpu.memory_space<vmem>>[vector<16xi32>, vector<16xi32>], vector<16xf32>,
      %parallel_loop3A_491 = arith.constant 2 : i32
      %parallel_loop3A_492 = vector.broadcast %parallel_loop3A_491 : i32 to vector<16xi32>
      %parallel_loop3A_493 = arith.addi %mul3A_109, %parallel_loop3A_492 : vector<16xi32>
      %parallel_loop3A_494 = arith.index_cast %parallel_loop3A_201 : i32 to index
      %parallel_loop3A_495 = arith.constant 160 : index
      %parallel_loop3A_496 = tpu.vector_load %arg7[%parallel_loop3A_494, %parallel_loop3A_495] {strides = array<i32>} : memref<32x224xf32, #tpu.memory_space<vmem>>, vector<16xf32>,
      tpu.vector_store_idx %arg9[%parallel_loop3A_481, %parallel_loop3A_493], %parallel_loop3A_496 {add = true} : memref<200x128xf32, #tpu.memory_space<vmem>>[vector<16xi32>, vector<16xi32>], vector<16xf32>,
      %parallel_loop3A_497 = arith.constant 3 : i32
      %parallel_loop3A_498 = vector.broadcast %parallel_loop3A_497 : i32 to vector<16xi32>
      %parallel_loop3A_499 = arith.addi %mul3A_109, %parallel_loop3A_498 : vector<16xi32>
      tpu.vector_store_idx %arg9[%parallel_loop3A_481, %parallel_loop3A_499], %mul3A_177 {add = true} : memref<200x128xf32, #tpu.memory_space<vmem>>[vector<16xi32>, vector<16xi32>], vector<16xf32>,
      %parallel_loop3A_500 = arith.constant 4 : i32
      %parallel_loop3A_501 = vector.broadcast %parallel_loop3A_500 : i32 to vector<16xi32>
      %parallel_loop3A_502 = arith.addi %mul3A_109, %parallel_loop3A_501 : vector<16xi32>
      tpu.vector_store_idx %arg9[%parallel_loop3A_481, %parallel_loop3A_502], %parallel_loop3A_208 {add = true} : memref<200x128xf32, #tpu.memory_space<vmem>>[vector<16xi32>, vector<16xi32>], vector<16xf32>,
      %parallel_loop3A_503 = arith.constant 5 : i32
      %parallel_loop3A_504 = vector.broadcast %parallel_loop3A_503 : i32 to vector<16xi32>
      %parallel_loop3A_505 = arith.addi %mul3A_109, %parallel_loop3A_504 : vector<16xi32>
      tpu.vector_store_idx %arg9[%parallel_loop3A_481, %parallel_loop3A_505], %broadcast_in_dim3A_111 {add = true} : memref<200x128xf32, #tpu.memory_space<vmem>>[vector<16xi32>, vector<16xi32>], vector<16xf32>,
      %parallel_loop3A_506 = arith.index_cast %parallel_loop3A_201 : i32 to index
      %parallel_loop3A_507 = arith.constant 176 : index
      %parallel_loop3A_508 = tpu.vector_load %arg8[%parallel_loop3A_506, %parallel_loop3A_507] {strides = array<i32>} : memref<32x224xi32, #tpu.memory_space<vmem>>, vector<16xi32>,
      %parallel_loop3A_509 = arith.index_cast %parallel_loop3A_201 : i32 to index
      %parallel_loop3A_510 = arith.constant 176 : index
      %parallel_loop3A_511 = tpu.vector_load %arg5[%parallel_loop3A_509, %parallel_loop3A_510] {strides = array<i32>} : memref<32x224xf32, #tpu.memory_space<vmem>>, vector<16xf32>,
      tpu.vector_store_idx %arg9[%parallel_loop3A_508, %mul3A_109], %parallel_loop3A_511 {add = true} : memref<200x128xf32, #tpu.memory_space<vmem>>[vector<16xi32>, vector<16xi32>], vector<16xf32>,
      %parallel_loop3A_512 = arith.constant 1 : i32
      %parallel_loop3A_513 = vector.broadcast %parallel_loop3A_512 : i32 to vector<16xi32>
      %parallel_loop3A_514 = arith.addi %mul3A_109, %parallel_loop3A_513 : vector<16xi32>
      %parallel_loop3A_515 = arith.index_cast %parallel_loop3A_201 : i32 to index
      %parallel_loop3A_516 = arith.constant 176 : index
      %parallel_loop3A_517 = tpu.vector_load %arg6[%parallel_loop3A_515, %parallel_loop3A_516] {strides = array<i32>} : memref<32x224xf32, #tpu.memory_space<vmem>>, vector<16xf32>,
      tpu.vector_store_idx %arg9[%parallel_loop3A_508, %parallel_loop3A_514], %parallel_loop3A_517 {add = true} : memref<200x128xf32, #tpu.memory_space<vmem>>[vector<16xi32>, vector<16xi32>], vector<16xf32>,
      %parallel_loop3A_518 = arith.constant 2 : i32
      %parallel_loop3A_519 = vector.broadcast %parallel_loop3A_518 : i32 to vector<16xi32>
      %parallel_loop3A_520 = arith.addi %mul3A_109, %parallel_loop3A_519 : vector<16xi32>
      %parallel_loop3A_521 = arith.index_cast %parallel_loop3A_201 : i32 to index
      %parallel_loop3A_522 = arith.constant 176 : index
      %parallel_loop3A_523 = tpu.vector_load %arg7[%parallel_loop3A_521, %parallel_loop3A_522] {strides = array<i32>} : memref<32x224xf32, #tpu.memory_space<vmem>>, vector<16xf32>,
      tpu.vector_store_idx %arg9[%parallel_loop3A_508, %parallel_loop3A_520], %parallel_loop3A_523 {add = true} : memref<200x128xf32, #tpu.memory_space<vmem>>[vector<16xi32>, vector<16xi32>], vector<16xf32>,
      %parallel_loop3A_524 = arith.constant 3 : i32
      %parallel_loop3A_525 = vector.broadcast %parallel_loop3A_524 : i32 to vector<16xi32>
      %parallel_loop3A_526 = arith.addi %mul3A_109, %parallel_loop3A_525 : vector<16xi32>
      tpu.vector_store_idx %arg9[%parallel_loop3A_508, %parallel_loop3A_526], %mul3A_183 {add = true} : memref<200x128xf32, #tpu.memory_space<vmem>>[vector<16xi32>, vector<16xi32>], vector<16xf32>,
      %parallel_loop3A_527 = arith.constant 4 : i32
      %parallel_loop3A_528 = vector.broadcast %parallel_loop3A_527 : i32 to vector<16xi32>
      %parallel_loop3A_529 = arith.addi %mul3A_109, %parallel_loop3A_528 : vector<16xi32>
      tpu.vector_store_idx %arg9[%parallel_loop3A_508, %parallel_loop3A_529], %parallel_loop3A_208 {add = true} : memref<200x128xf32, #tpu.memory_space<vmem>>[vector<16xi32>, vector<16xi32>], vector<16xf32>,
      %parallel_loop3A_530 = arith.constant 5 : i32
      %parallel_loop3A_531 = vector.broadcast %parallel_loop3A_530 : i32 to vector<16xi32>
      %parallel_loop3A_532 = arith.addi %mul3A_109, %parallel_loop3A_531 : vector<16xi32>
      tpu.vector_store_idx %arg9[%parallel_loop3A_508, %parallel_loop3A_532], %broadcast_in_dim3A_111 {add = true} : memref<200x128xf32, #tpu.memory_space<vmem>>[vector<16xi32>, vector<16xi32>], vector<16xf32>,
      %parallel_loop3A_533 = arith.index_cast %parallel_loop3A_201 : i32 to index
      %parallel_loop3A_534 = arith.constant 192 : index
      %parallel_loop3A_535 = tpu.vector_load %arg8[%parallel_loop3A_533, %parallel_loop3A_534] {strides = array<i32>} : memref<32x224xi32, #tpu.memory_space<vmem>>, vector<16xi32>,
      %parallel_loop3A_536 = arith.index_cast %parallel_loop3A_201 : i32 to index
      %parallel_loop3A_537 = arith.constant 192 : index
      %parallel_loop3A_538 = tpu.vector_load %arg5[%parallel_loop3A_536, %parallel_loop3A_537] {strides = array<i32>} : memref<32x224xf32, #tpu.memory_space<vmem>>, vector<16xf32>,
      tpu.vector_store_idx %arg9[%parallel_loop3A_535, %mul3A_109], %parallel_loop3A_538 {add = true} : memref<200x128xf32, #tpu.memory_space<vmem>>[vector<16xi32>, vector<16xi32>], vector<16xf32>,
      %parallel_loop3A_539 = arith.constant 1 : i32
      %parallel_loop3A_540 = vector.broadcast %parallel_loop3A_539 : i32 to vector<16xi32>
      %parallel_loop3A_541 = arith.addi %mul3A_109, %parallel_loop3A_540 : vector<16xi32>
      %parallel_loop3A_542 = arith.index_cast %parallel_loop3A_201 : i32 to index
      %parallel_loop3A_543 = arith.constant 192 : index
      %parallel_loop3A_544 = tpu.vector_load %arg6[%parallel_loop3A_542, %parallel_loop3A_543] {strides = array<i32>} : memref<32x224xf32, #tpu.memory_space<vmem>>, vector<16xf32>,
      tpu.vector_store_idx %arg9[%parallel_loop3A_535, %parallel_loop3A_541], %parallel_loop3A_544 {add = true} : memref<200x128xf32, #tpu.memory_space<vmem>>[vector<16xi32>, vector<16xi32>], vector<16xf32>,
      %parallel_loop3A_545 = arith.constant 2 : i32
      %parallel_loop3A_546 = vector.broadcast %parallel_loop3A_545 : i32 to vector<16xi32>
      %parallel_loop3A_547 = arith.addi %mul3A_109, %parallel_loop3A_546 : vector<16xi32>
      %parallel_loop3A_548 = arith.index_cast %parallel_loop3A_201 : i32 to index
      %parallel_loop3A_549 = arith.constant 192 : index
      %parallel_loop3A_550 = tpu.vector_load %arg7[%parallel_loop3A_548, %parallel_loop3A_549] {strides = array<i32>} : memref<32x224xf32, #tpu.memory_space<vmem>>, vector<16xf32>,
      tpu.vector_store_idx %arg9[%parallel_loop3A_535, %parallel_loop3A_547], %parallel_loop3A_550 {add = true} : memref<200x128xf32, #tpu.memory_space<vmem>>[vector<16xi32>, vector<16xi32>], vector<16xf32>,
      %parallel_loop3A_551 = arith.constant 3 : i32
      %parallel_loop3A_552 = vector.broadcast %parallel_loop3A_551 : i32 to vector<16xi32>
      %parallel_loop3A_553 = arith.addi %mul3A_109, %parallel_loop3A_552 : vector<16xi32>
      tpu.vector_store_idx %arg9[%parallel_loop3A_535, %parallel_loop3A_553], %mul3A_189 {add = true} : memref<200x128xf32, #tpu.memory_space<vmem>>[vector<16xi32>, vector<16xi32>], vector<16xf32>,
      %parallel_loop3A_554 = arith.constant 4 : i32
      %parallel_loop3A_555 = vector.broadcast %parallel_loop3A_554 : i32 to vector<16xi32>
      %parallel_loop3A_556 = arith.addi %mul3A_109, %parallel_loop3A_555 : vector<16xi32>
      tpu.vector_store_idx %arg9[%parallel_loop3A_535, %parallel_loop3A_556], %parallel_loop3A_208 {add = true} : memref<200x128xf32, #tpu.memory_space<vmem>>[vector<16xi32>, vector<16xi32>], vector<16xf32>,
      %parallel_loop3A_557 = arith.constant 5 : i32
      %parallel_loop3A_558 = vector.broadcast %parallel_loop3A_557 : i32 to vector<16xi32>
      %parallel_loop3A_559 = arith.addi %mul3A_109, %parallel_loop3A_558 : vector<16xi32>
      tpu.vector_store_idx %arg9[%parallel_loop3A_535, %parallel_loop3A_559], %broadcast_in_dim3A_111 {add = true} : memref<200x128xf32, #tpu.memory_space<vmem>>[vector<16xi32>, vector<16xi32>], vector<16xf32>,
      %parallel_loop3A_560 = arith.index_cast %parallel_loop3A_201 : i32 to index
      %parallel_loop3A_561 = arith.constant 208 : index
      %parallel_loop3A_562 = tpu.vector_load %arg8[%parallel_loop3A_560, %parallel_loop3A_561] {strides = array<i32>} : memref<32x224xi32, #tpu.memory_space<vmem>>, vector<16xi32>,
      %parallel_loop3A_563 = arith.index_cast %parallel_loop3A_201 : i32 to index
      %parallel_loop3A_564 = arith.constant 208 : index
      %parallel_loop3A_565 = tpu.vector_load %arg5[%parallel_loop3A_563, %parallel_loop3A_564] {strides = array<i32>} : memref<32x224xf32, #tpu.memory_space<vmem>>, vector<16xf32>,
      tpu.vector_store_idx %arg9[%parallel_loop3A_562, %mul3A_109], %parallel_loop3A_565 {add = true} : memref<200x128xf32, #tpu.memory_space<vmem>>[vector<16xi32>, vector<16xi32>], vector<16xf32>,
      %parallel_loop3A_566 = arith.constant 1 : i32
      %parallel_loop3A_567 = vector.broadcast %parallel_loop3A_566 : i32 to vector<16xi32>
      %parallel_loop3A_568 = arith.addi %mul3A_109, %parallel_loop3A_567 : vector<16xi32>
      %parallel_loop3A_569 = arith.index_cast %parallel_loop3A_201 : i32 to index
      %parallel_loop3A_570 = arith.constant 208 : index
      %parallel_loop3A_571 = tpu.vector_load %arg6[%parallel_loop3A_569, %parallel_loop3A_570] {strides = array<i32>} : memref<32x224xf32, #tpu.memory_space<vmem>>, vector<16xf32>,
      tpu.vector_store_idx %arg9[%parallel_loop3A_562, %parallel_loop3A_568], %parallel_loop3A_571 {add = true} : memref<200x128xf32, #tpu.memory_space<vmem>>[vector<16xi32>, vector<16xi32>], vector<16xf32>,
      %parallel_loop3A_572 = arith.constant 2 : i32
      %parallel_loop3A_573 = vector.broadcast %parallel_loop3A_572 : i32 to vector<16xi32>
      %parallel_loop3A_574 = arith.addi %mul3A_109, %parallel_loop3A_573 : vector<16xi32>
      %parallel_loop3A_575 = arith.index_cast %parallel_loop3A_201 : i32 to index
      %parallel_loop3A_576 = arith.constant 208 : index
      %parallel_loop3A_577 = tpu.vector_load %arg7[%parallel_loop3A_575, %parallel_loop3A_576] {strides = array<i32>} : memref<32x224xf32, #tpu.memory_space<vmem>>, vector<16xf32>,
      tpu.vector_store_idx %arg9[%parallel_loop3A_562, %parallel_loop3A_574], %parallel_loop3A_577 {add = true} : memref<200x128xf32, #tpu.memory_space<vmem>>[vector<16xi32>, vector<16xi32>], vector<16xf32>,
      %parallel_loop3A_578 = arith.constant 3 : i32
      %parallel_loop3A_579 = vector.broadcast %parallel_loop3A_578 : i32 to vector<16xi32>
      %parallel_loop3A_580 = arith.addi %mul3A_109, %parallel_loop3A_579 : vector<16xi32>
      tpu.vector_store_idx %arg9[%parallel_loop3A_562, %parallel_loop3A_580], %mul3A_195 {add = true} : memref<200x128xf32, #tpu.memory_space<vmem>>[vector<16xi32>, vector<16xi32>], vector<16xf32>,
      %parallel_loop3A_581 = arith.constant 4 : i32
      %parallel_loop3A_582 = vector.broadcast %parallel_loop3A_581 : i32 to vector<16xi32>
      %parallel_loop3A_583 = arith.addi %mul3A_109, %parallel_loop3A_582 : vector<16xi32>
      tpu.vector_store_idx %arg9[%parallel_loop3A_562, %parallel_loop3A_583], %parallel_loop3A_208 {add = true} : memref<200x128xf32, #tpu.memory_space<vmem>>[vector<16xi32>, vector<16xi32>], vector<16xf32>,
      %parallel_loop3A_584 = arith.constant 5 : i32
      %parallel_loop3A_585 = vector.broadcast %parallel_loop3A_584 : i32 to vector<16xi32>
      %parallel_loop3A_586 = arith.addi %mul3A_109, %parallel_loop3A_585 : vector<16xi32>
      tpu.vector_store_idx %arg9[%parallel_loop3A_562, %parallel_loop3A_586], %broadcast_in_dim3A_111 {add = true} : memref<200x128xf32, #tpu.memory_space<vmem>>[vector<16xi32>, vector<16xi32>], vector<16xf32>,
    } {sc.loop_unroll_factor = 2 : i64, sc.parallel_access}
    "tpu.region"() ({
      %run_scoped3A = tpu.sem_alloc : memref<!tpu.dma_semaphore, #tpu.memory_space<semaphore_mem>>
      %dma_start3A_200 = arith.constant 0 : i32
      %dma_start3A_201 = arith.constant 0 : i32
      %dma_start3A_202 = tpu.memref_slice %arg4[%add3A, %dma_start3A_200, %dma_start3A_201] : memref<32x200x128xf32, #tpu.memory_space<hbm>> -> memref<1x200x128xf32, #tpu.memory_space<hbm>>
      %dma_start3A_203 = tpu.memref_squeeze %dma_start3A_202 : memref<1x200x128xf32, #tpu.memory_space<hbm>> -> memref<200x128xf32, #tpu.memory_space<hbm>>
      %dma_start3A_204 = arith.constant 0 : i32
      %dma_start3A_205 = arith.constant 0 : i32
      %dma_start3A_206 = tpu.memref_slice %arg4[%add3A, %dma_start3A_204, %dma_start3A_205] : memref<32x200x128xf32, #tpu.memory_space<hbm>> -> memref<1x200x128xf32, #tpu.memory_space<hbm>>
      %dma_start3A_207 = tpu.memref_squeeze %dma_start3A_206 : memref<1x200x128xf32, #tpu.memory_space<hbm>> -> memref<200x128xf32, #tpu.memory_space<hbm>>
      tpu.enqueue_dma source(%arg9 : memref<200x128xf32, #tpu.memory_space<vmem>>) target(%dma_start3A_207 : memref<200x128xf32, #tpu.memory_space<hbm>>) target_semaphore(%run_scoped3A : memref<!tpu.dma_semaphore, #tpu.memory_space<semaphore_mem>>)
      %dma_wait3A_208 = arith.constant 0 : i32
      %dma_wait3A_209 = arith.constant 0 : i32
      %dma_wait3A_210 = tpu.memref_slice %arg4[%add3A, %dma_wait3A_208, %dma_wait3A_209] : memref<32x200x128xf32, #tpu.memory_space<hbm>> -> memref<1x200x128xf32, #tpu.memory_space<hbm>>
      %dma_wait3A_211 = tpu.memref_squeeze %dma_wait3A_210 : memref<1x200x128xf32, #tpu.memory_space<hbm>> -> memref<200x128xf32, #tpu.memory_space<hbm>>
      %dma_wait3A_212 = arith.constant 0 : i32
      %dma_wait3A_213 = arith.constant 0 : i32
      %dma_wait3A_214 = tpu.memref_slice %arg4[%add3A, %dma_wait3A_212, %dma_wait3A_213] : memref<32x200x128xf32, #tpu.memory_space<hbm>> -> memref<1x200x128xf32, #tpu.memory_space<hbm>>
      %dma_wait3A_215 = tpu.memref_squeeze %dma_wait3A_214 : memref<1x200x128xf32, #tpu.memory_space<hbm>> -> memref<200x128xf32, #tpu.memory_space<hbm>>
      tpu.wait_dma2 semaphore(%run_scoped3A : memref<!tpu.dma_semaphore, #tpu.memory_space<semaphore_mem>>) src(%arg9 : memref<200x128xf32, #tpu.memory_space<vmem>>) dst(%dma_wait3A_215 : memref<200x128xf32, #tpu.memory_space<hbm>>)
      tpu.yield
    }) : () -> ()
    return
  }
}

module attributes {stable_mosaic.version = 14 : i64} {
  func.func @_tc_finish_body(%arg0: i32, %arg1: memref<8x200x128xf32, #tpu.memory_space<vmem>>, %arg2: memref<128x768xf32, #tpu.memory_space<vmem>>, %arg3: memref<1x128xf32, #tpu.memory_space<vmem>>, %arg4: memref<1x196x768xf32, #tpu.memory_space<vmem>>) attributes {dimension_semantics = [#tpu.dimension_semantics<arbitrary>], iteration_bounds = array<i64: 4>, scalar_prefetch = 0 : i64, scratch_operands = 0 : i64, tpu.core_type = #tpu.core_type<tc>, window_params = [{transform_indices = @transform_0, window_bounds = array<i64: 8, 200, 128>}, {pipeline_mode = #tpu.pipeline_mode<synchronous>, transform_indices = @transform_1, window_bounds = array<i64: 128, 768>}, {pipeline_mode = #tpu.pipeline_mode<synchronous>, transform_indices = @transform_2, window_bounds = array<i64: 1, 128>}, {transform_indices = @transform_3, window_bounds = array<i64: 1, 196, 768>}]} {
    %get3A = arith.constant 0 : index
    %get3A_0 = arith.constant 0 : index
    %get3A_1 = arith.constant 0 : index
    %get3A_2 = vector.load %arg1[%get3A, %get3A_0, %get3A_1] : memref<8x200x128xf32, #tpu.memory_space<vmem>>, vector<8x200x128xf32>
    %reduce_sum3A = arith.constant dense<0.000000e+00> : vector<200x128xf32>
    %reduce_sum3A_3 = vector.multi_reduction <add>, %get3A_2, %reduce_sum3A [0] : vector<8x200x128xf32> to vector<200x128xf32>
    %slice3A = vector.extract_strided_slice %reduce_sum3A_3 {offsets = [0, 0], sizes = [196, 128], strides = [1, 1]} : vector<200x128xf32> to vector<196x128xf32>
    %get3A_4 = arith.constant 0 : index
    %get3A_5 = arith.constant 0 : index
    %get3A_6 = vector.load %arg2[%get3A_4, %get3A_5] : memref<128x768xf32, #tpu.memory_space<vmem>>, vector<128x768xf32>
    %dot_general3A = arith.constant dense<0.000000e+00> : vector<196x768xf32>
    %dot_general3A_7 = tpu.matmul %slice3A, %get3A_6, %dot_general3A {dimension_numbers = #tpu.dot_dimension_numbers<[1], [0], [0], [1], [0, 0, 1, 1], [], []>, transpose_lhs_hint = false} : vector<196x128xf32>, vector<128x768xf32>, vector<196x768xf32> -> vector<196x768xf32>
    %get3A_8 = arith.constant 0 : index
    %get3A_9 = arith.constant 0 : index
    %get3A_10 = vector.load %arg3[%get3A_8, %get3A_9] : memref<1x128xf32, #tpu.memory_space<vmem>>, vector<1x128xf32>
    %mul3A = vector.broadcast %get3A_10 : vector<1x128xf32> to vector<196x128xf32>
    %mul3A_11 = arith.mulf %slice3A, %mul3A : vector<196x128xf32>
    %reduce_sum3A_12 = arith.constant dense<0.000000e+00> : vector<196xf32>
    %reduce_sum3A_13 = vector.multi_reduction <add>, %mul3A_11, %reduce_sum3A_12 [1] : vector<196x128xf32> to vector<196xf32>
    %broadcast_in_dim3A = vector.shape_cast %reduce_sum3A_13 : vector<196xf32> to vector<196x1xf32>
    %max3A = arith.constant 1.000000e+00 : f32
    %max3A_14 = vector.broadcast %max3A : f32 to vector<196x1xf32>
    %max3A_15 = arith.maximumf %broadcast_in_dim3A, %max3A_14 : vector<196x1xf32>
    %div3A = vector.broadcast %max3A_15 : vector<196x1xf32> to vector<196x768xf32>
    %div3A_16 = arith.divf %dot_general3A_7, %div3A : vector<196x768xf32>
    %swap3A = arith.constant 0 : index
    %swap3A_17 = arith.constant 0 : index
    %swap3A_18 = arith.constant 0 : index
    %swap3A_19 = vector.load %arg4[%swap3A, %swap3A_17, %swap3A_18] : memref<1x196x768xf32, #tpu.memory_space<vmem>>, vector<1x196x768xf32>
    %swap3A_20 = vector.shape_cast %swap3A_19 : vector<1x196x768xf32> to vector<196x768xf32>
    %swap3A_21 = vector.shape_cast %div3A_16 : vector<196x768xf32> to vector<1x196x768xf32>
    tpu.vector_store %arg4[%swap3A, %swap3A_17, %swap3A_18], %swap3A_21 {strides = array<i32>} : memref<1x196x768xf32, #tpu.memory_space<vmem>>, vector<1x196x768xf32>,
    return
  }
  func.func @transform_0(%arg0: i32) -> (i32, i32, i32) {
    %c0_i32 = arith.constant 0 : i32
    %c0_i32_0 = arith.constant 0 : i32
    %c0_i32_1 = arith.constant 0 : i32
    return %arg0, %c0_i32, %c0_i32_0 : i32, i32, i32
  }
  func.func @transform_1(%arg0: i32) -> (i32, i32) {
    %c0_i32 = arith.constant 0 : i32
    %c0_i32_0 = arith.constant 0 : i32
    %c0_i32_1 = arith.constant 0 : i32
    return %c0_i32, %c0_i32_0 : i32, i32
  }
  func.func @transform_2(%arg0: i32) -> (i32, i32) {
    %c0_i32 = arith.constant 0 : i32
    %c0_i32_0 = arith.constant 0 : i32
    %c0_i32_1 = arith.constant 0 : i32
    return %c0_i32, %c0_i32_0 : i32, i32
  }
  func.func @transform_3(%arg0: i32) -> (i32, i32, i32) {
    %c0_i32 = arith.constant 0 : i32
    %c0_i32_0 = arith.constant 0 : i32
    %c0_i32_1 = arith.constant 0 : i32
    return %arg0, %c0_i32, %c0_i32_0 : i32, i32, i32
  }
}

</mosaic_0001>

<sc_bundles>
// kernel: kernel.4.cloned.1.call-start
scs
__scs_entry_jumppad:
0x0: {  	(pc) =	sbr.rel $0x88, $3  }
0x1: {  	(tag) =	ssettag $0x0;
	lr =	simm.s32 $0x1  }
0x2: {  	[smem:$0x3F9D] =	sst lr;
	_ =	strace $0xD0000000  }
0x3: {  	_ = 	snop  }
0x4: {  	_ = 	snop  }
0x5: {  	_ = 	snop  }
0x6: {  	_ = 	snop  }
0x7: {  	_ = 	snop  }
__scs_overlays_trampoline_lowered:
0x8: {  	[smem:$0x3FAC] =	sst s0  }
0x9: {  	[smem:$0x3FAD] =	sst s1  }
0xa: {  	[smem:$0x3FAE] =	sst s2  }
0xb: {  	[smem:$0x3FAF] =	sst s3  }
0xc: {  	[smem:$0x3FB0] =	sst s4  }
0xd: {  	[smem:$0x3FB1] =	sst s5  }
0xe: {  	[smem:$0x3FB2] =	sst s6  }
0xf: {  	[smem:$0x3FB3] =	sst s7  }
0x10: {  	[smem:$0x3FB4] =	sst s8  }
0x11: {  	[smem:$0x3FB5] =	sst s9;
	s0 =	simm.s32 @!p0 $0x0  }
0x12: {  	s1 =	sld [smem:$0x3F9B];
	s0 =	simm.s32 @p0 $0x1  }
0x13: {  	[smem:$0x3FB6] =	sst s0;
	s0 =	simm.s32 @!p1 $0x0  }
0x14: {  	s2 =	sld [smem:$0x3F9A];
	s0 =	simm.s32 @p1 $0x1  }
0x15: {  	[smem:$0x3FB7] =	sst s0;
	s0 =	simm.s32 @!p2 $0x0  }
0x16: {  	s3 =	sld [smem:$0x3FDB];
	s0 =	simm.s32 @p2 $0x1  }
0x17: {  	s4 =	simm.s32 $0x1BF5;
	[smem:$0x3FB9] =	sst s0  }
0x18: {  	s0 =	sld [smem:$0x3F9C];
	_ =	swait.ge [sflag:s4], $0x0  }
0x19: {  	s7 =	sld [smem:$0x3F9D]  }
0x1a: {  	s8 =	sadd.s32 $0xFFFFE003, lr  }
0x1b: {  	s9 =	sadd.s32 $0xFFFFFEF7, lr;
	s5 =	simm.s32 $0xFFFFFFFF;
	p2 =	slt.u32 s8, $0xFFFFF086  }
0x1c: {  	p1 =	slt.u32 s9, $0xF7A;
	s5 =	simm.s32 @!p2 $0x0  }
0x1d: {  	s5 =	simm.s32 @p1 $0x1;
	p0 =	seq.s32 s7, s2  }
0x1e: {  	s7 =	smul.u32 @!p0 $0xF7A, s2;
	p2 =	seq.s32 @!p0 s5, $0x0  }
0x1f: {  	s9 =	smul.u32 $0xF7A, s1;
	s8 =	simm.s32 @!p0 $0x1BF5;
	p2 =	por !p2, p0  }
0x20: {  	[sflag:s8] =	ssyncset.s32 @!p0 $0xFFFFF086;
	s6 =	sadd.s32 @!p0 s3, s7;
	s7 =	simm.s32 @!p0 $0x108  }
0x21: {  	s3 =	sadd.s32 s3, s9;
	s6 =	sadd.s32 @!p0 $0x88, s6;
	s7 =	simm.s32 @p2 $0x1082  }
0x22: {  	[simem:s7], [sflag:s8] =	dma.local @!p0 [hbm:s6], $0xF7A  }
0x23: {  	s9 =	sor.u32 $0xD0000000, s2;
	s6 =	simm.s32 $0x108;
	_ =	swait.ge @!p0 [sflag:s8], $0x0  }
0x24: {  	s3 =	sadd.s32 $0x88, s3;
	s6 =	simm.s32 @!p1 $0x1082;
	[sflag:s4] =	ssyncset.s32 $0xFFFFF086  }
0x25: {  	[simem:s6], [sflag:s4] =	dma.local [hbm:s3], $0xF7A  }
0x26: {  	[smem:$0x3F9D] =	sst s1;
	(tag) =	ssettag s2;
	_ =	strace s9  }
0x27: {  	s1 =	sld [smem:$0x3FAD]  }
0x28: {  	s2 =	sld [smem:$0x3FAE]  }
0x29: {  	s4 =	sld [smem:$0x3FB0]  }
0x2a: {  	p0 =	seq.s32 s5, $0x0;
	s5 =	sld [smem:$0x3FB1]  }
0x2b: {  	s6 =	sld [smem:$0x3FB2]  }
0x2c: {  	s7 =	sld [smem:$0x3FB3]  }
0x2d: {  	s3 =	simm.s32 $0x108;
	s8 =	sld [smem:$0x3FB4]  }
0x2e: {  	s3 =	simm.s32 @!p0 $0x1082;
	s9 =	sld [smem:$0x3FB5]  }
0x2f: {  	lr =	sadd.s32 s0, s3;
	s0 =	sld [smem:$0x3FAC]  }
0x30: {  	s3 =	sld [smem:$0x3FAF]  }
0x31: {  	[smem:$0x3FB8] =	sst s10  }
0x32: {  	s10 =	sld [smem:$0x3FB6];
	_ =	sdelay $0x3  }
0x33: {  	p0 =	seq.s32 s10, $0x1;
	s10 =	sld [smem:$0x3FB8];
	_ =	sdelay $0x3  }
0x34: {  	[smem:$0x3FB8] =	sst s10  }
0x35: {  	s10 =	sld [smem:$0x3FB7];
	_ =	sdelay $0x3  }
0x36: {  	p1 =	seq.s32 s10, $0x1;
	s10 =	sld [smem:$0x3FB8];
	_ =	sdelay $0x3  }
0x37: {  	[smem:$0x3FB8] =	sst s10  }
0x38: {  	s10 =	sld [smem:$0x3FB9]  }
0x39: {  	_ = 	snop;
	(pc) =	sbr.ind lr, $3  }
0x3a: {  	_ = 	snop  }
0x3b: {  	_ = 	snop  }
0x3c: {  	p2 =	seq.s32 s10, $0x1;
	s10 =	sld [smem:$0x3FB8]  }
0x3d: {  	_ =	shalt  }
0x3e: {  	_ =	shalt  }
0x3f: {  	_ =	shalt  }
0x40: {  	_ =	shalt  }
0x41: {  	_ =	shalt  }
0x42: {  	_ =	shalt  }
0x43: {  	_ =	shalt  }
0x44: {  	_ =	shalt  }
0x45: {  	_ =	shalt  }
0x46: {  	_ =	shalt  }
0x47: {  	_ =	shalt  }
0x48: {  	_ =	shalt  }
0x49: {  	_ =	shalt  }
0x4a: {  	_ =	shalt  }
0x4b: {  	_ =	shalt  }
0x4c: {  	_ =	shalt  }
0x4d: {  	_ =	shalt  }
0x4e: {  	_ =	shalt  }
0x4f: {  	_ =	shalt  }
0x50: {  	_ =	shalt  }
0x51: {  	_ =	shalt  }
0x52: {  	_ =	shalt  }
0x53: {  	_ =	shalt  }
0x54: {  	_ =	shalt  }
0x55: {  	_ =	shalt  }
0x56: {  	_ =	shalt  }
0x57: {  	_ =	shalt  }
0x58: {  	_ =	shalt  }
0x59: {  	_ =	shalt  }
0x5a: {  	_ =	shalt  }
0x5b: {  	_ =	shalt  }
0x5c: {  	_ =	shalt  }
0x5d: {  	_ =	shalt  }
0x5e: {  	_ =	shalt  }
0x5f: {  	_ =	shalt  }
0x60: {  	_ =	shalt  }
0x61: {  	_ =	shalt  }
0x62: {  	_ =	shalt  }
0x63: {  	_ =	shalt  }
0x64: {  	_ =	shalt  }
0x65: {  	_ =	shalt  }
0x66: {  	_ =	shalt  }
0x67: {  	_ =	shalt  }
0x68: {  	_ =	shalt  }
0x69: {  	_ =	shalt  }
0x6a: {  	_ =	shalt  }
0x6b: {  	_ =	shalt  }
0x6c: {  	_ =	shalt  }
0x6d: {  	_ =	shalt  }
0x6e: {  	_ =	shalt  }
0x6f: {  	_ =	shalt  }
0x70: {  	_ =	shalt  }
0x71: {  	_ =	shalt  }
0x72: {  	_ =	shalt  }
0x73: {  	_ =	shalt  }
0x74: {  	_ =	shalt  }
0x75: {  	_ =	shalt  }
0x76: {  	_ =	shalt  }
0x77: {  	_ =	shalt  }
0x78: {  	_ =	shalt  }
0x79: {  	_ =	shalt  }
0x7a: {  	_ =	shalt  }
0x7b: {  	_ =	shalt  }
0x7c: {  	_ =	shalt  }
0x7d: {  	_ =	shalt  }
0x7e: {  	_ =	shalt  }
0x7f: {  	_ =	shalt  }
0x80: {  	_ =	shalt  }
0x81: {  	_ =	shalt  }
0x82: {  	_ =	shalt  }
0x83: {  	_ =	shalt  }
0x84: {  	_ =	shalt  }
0x85: {  	_ =	shalt  }
0x86: {  	_ =	shalt  }
0x87: {  	_ =	shalt  }
.Lfunc_end0:
.L_simem_size_0:
called_computation_lowered:
.L_overlay_start_0:
0x88: {  	s2 =	sld [smem:$0x3FD9]  }
0x89: {  	s3 =	sld [smem:$0x3FFE];
	_ =	sdelay $0x1  }
0x8a: {  	s1 =	srdreg.scid  }
0x8b: {  	s0 =	sand.u32 $0x1, s1  }
0x8c: {  	s17 =	sshll.u32 s0, $0xA;
	s2 =	sadd.s32 s3, s2  }
0x8d: {  	s2 =	sadd.s32 s2, s17  }
0x8e: {  	[smem:$0x3FC4] =	sst s2  }
0x8f: {  	_ = 	snop  }
0x90: {  	s2 =	sld [smem:$0x3FC9]  }
0x91: {  	s18 =	sld [smem:$0x3FC8];
	(tm) =	ssettm $0x1  }
0x92: {  	s4 =	sld [smem:$0x3FFB];
	_ =	sdelay $0x3  }
0x93: {  	_ =	strace s4  }
0x94: {  	s4 =	sld [smem:$0x3FFC];
	_ =	sdelay $0x3  }
0x95: {  	_ =	strace s4  }
0x96: {  	s4 =	sld [smem:$0x3FFD];
	_ =	sdelay $0x3  }
0x97: {  	_ =	strace s4  }
0x98: {  	_ =	strace $0x8FFFFFFF  }
0x99: {  	s19 =	sld [smem:$0x3FDB];
	_ =	sdelay $0x1  }
0x9a: {  	s5 =	simm.s32 $_scs_section_size  }
0x9b: {  	s6 =	simm.s32 $_size__tile_overlayer_lowered;
	s7 =	simm.s32 $_tile_overlayer_lowered  }
0x9c: {  	s22 =	simm.s32 $0x1BFF;
	s21 =	sshll.u32 s7, $0x1;
	s4 =	sadd.s32 s5, s19  }
0x9d: {  	s8 =	simm.s32 $0x0;
	s20 =	sshll.u32 s6, $0x1;
	s6 =	sadd.s32 s21, s4  }
0x9e: {  	[timem:s8], [sflag:s22] =	dma.local [hbm:s6], s20  }
0x9f: {  	_ =	swait.ge [sflag:s22], s20  }
0xa0: {  	s5 =	ssub.s32 $0x0, s20;
	[sflag:s22] =	ssyncset.done $0x0  }
0xa1: {  	[sflag:s22] =	ssyncadd.s32 s5;
	_ =	sdelay $0x1  }
0xa2: {  	s23 =	simm.s32 $0x1B8B  }
0xa3: {  	_ =	swait.ge [sflag:s23], $0x1  }
0xa4: {  	[sflag:s23] =	ssyncset.done $0x0  }
0xa5: {  	s25 =	simm.s32 $0x1B8E;
	s24 =	sld [smem:$0x3FFE];
	[sflag:s23] =	ssyncadd.s32 $0xFFFFFFFF  }
0xa6: {  	s26 =	simm.s32 $execute0_lowered;
	[smem:$0x3FD2] =	sst s25  }
0xa7: {  	s6 =	sshll.u32 s26, $0x1;
	_ =	strace $0x80000046;
	[dreg:$0x1] =	wrdreg $0xFFFFFFFF  }
0xa8: {  	s28 =	simm.s32 $_size_execute0_lowered;
	s4 =	sadd.s32 s4, s6;
	[dreg:$0x0] =	wrdreg $0x0  }
0xa9: {  	s6 =	sshll.u32 s28, $0x1;
	[dreg:$0x2] =	wrdreg s4  }
0xaa: {  	[dreg:$0x3] =	wrdreg s6  }
0xab: {  	[dreg:$0x4] =	wrdreg $0xC0  }
0xac: {  	_ =	task [dreg:s8], $0x5FFFF  }
0xad: {  	[dreg:$0x1] =	wrdreg $0xFFFFFFFF  }
0xae: {  	[dreg:$0x0] =	wrdreg $0x60  }
0xaf: {  	[dreg:$0x2] =	wrdreg s2  }
0xb0: {  	[dreg:$0x3] =	wrdreg s18  }
0xb1: {  	[dreg:$0x4] =	wrdreg s24  }
0xb2: {  	[dreg:$0x5] =	wrdreg $0x9  }
0xb3: {  	_ =	task.clear_ibuf [dreg:s8], $0x6FFFF;
	_ =	strace $0x90000046  }
0xb4: {  	s29 =	simm.s32 $0x9;
	_ =	strace $0x80000048  }
0xb5: {  	_ =	swait.ge [sflag:s29], $0x1  }
0xb6: {  	[sflag:s29] =	ssyncadd.s32 $0xFFFFFFFF  }
0xb7: {  	_ =	strace $0x90000048  }
0xb8: {  	_ =	sfence  }
0xb9: {  	s30 =	sld [smem:$0x0];
	_ =	sdelay $0x2  }
0xba: {  	s31 =	sshll.u32 s1, $0xD;
	s1 =	sshrl.u32 s1, $0x2  }
0xbb: {  	s3 =	sand.u32 $0x4000, s31;
	s1 =	sadd.s32 s1, s30  }
0xbc: {  	s0 =	sor.u32 s3, s0;
	s1 =	sshll.u32 s1, $0x11  }
0xbd: {  	s0 =	sor.u32 s1, s0  }
0xbe: {  	s0 =	sadd.s32 $0x8F2B, s0  }
0xbf: {  	[sflag:s0] =	ssyncadd.remote.s32 $0x1  }
0xc0: {  	_ =	sfence.sel $0xFFFF  }
0xc1: {  	[dreg:$0x0] =	wrdreg $0xFFFFFFFF;
	(pc) =	sbr.abs _section_cstart, $3  }
0xc2: {  	[dreg:$0x1] =	wrdreg $0xFFFFFFFF  }
0xc3: {  	_ =	task.clear_ibuf [dreg:s8], $0x2FFFF;
	_ =	strace $0x9FFFFFFF  }
0xc4: {  	(tm) =	ssettm $0x7FFFFFFF  }
0xc5: {  	_ =	shalt  }
tec
execute0_lowered:
.L_overlay_start_1:
0x0: {  	(tag) =	ssettag $0x1  }
0x1: {  	v5 =	vimm.f32 $6.726457920e-02  }
0x2: {  	vm0 =	vcmask $0x300;
	vm1 =	vcmask $0x704;
	vm2 =	vcmask $0xB08  }
0x3: {  	v6 =	vimm.f32 $1.390134540e-01;
	vm3 =	vcmask $0xF0C;
	vm6 =	vcmask $0x1310  }
0x4: {  	vm9 =	vcmask $0x1714;
	vm12 =	vcmask $0x1B18;
	vm13 =	vcmask $0x1F1C  }
0x5: {  	vm14 =	vcmask $0x2320;
	vm11 =	vcmask $0x2724;
	vm10 =	vcmask $0x2B28  }
0x6: {  	vm7 =	vcmask $0x2F2C;
	vm8 =	vcmask $0x3330;
	vm4 =	vcmask $0x3734  }
0x7: {  	vm5 =	vcmask $0x3B38;
	v8 =	vimm.f32 $1.000000000e+00;
	v10 =	vimm.f32 $2.107623370e-01  }
0x8: {  	v11 =	vimm.f32 $2.825112340e-01;
	v12 =	vimm.f32 $3.542601170e-01;
	v13 =	vimm.f32 $4.260089990e-01  }
0x9: {  	v14 =	vimm.f32 $4.977578820e-01;
	v15 =	vimm.f32 $5.695067640e-01;
	v16 =	vimm.f32 $6.412556170e-01  }
0xa: {  	v17 =	vimm.f32 $7.130045290e-01;
	v18 =	vimm.f32 $7.847533820e-01;
	v19 =	vimm.f32 $8.565022950e-01  }
0xb: {  	v20 =	vimm.f32 $9.282511470e-01;
	v6 =	vsel vm0, $0x3D92F114, v6;
	v10 =	vsel vm0, $0x3E12F114, v10  }
0xc: {  	v11 =	vsel vm0, $0x3E5C699E, v11;
	v12 =	vsel vm0, $0x3E92F114, v12;
	v13 =	vsel vm0, $0x3EB7AD59, v13  }
0xd: {  	s0 =	stileid.u32;
	v14 =	vsel vm0, $0x3EDC699E, v14;
	v15 =	vsel vm0, $0x3F0092F2, v15;
	v16 =	vsel vm0, $0x3F12F114, v16  }
0xe: {  	s5 =	sand.u32 $0x7, s0;
	v17 =	vsel vm0, $0x3F254F36, v17;
	v18 =	vsel vm0, $0x3F37AD59, v18;
	v19 =	vsel vm0, $0x3F4A0B7C, v19  }
0xf: {  	v5 =	vsel vm0, $0x0, v5;
	v20 =	vsel vm0, $0x3F5C699E, v20;
	v21 =	vsel vm0, $0x3F6EC7C0, v8;
	s2 =	smul.u32 $0x1C, s5  }
0x10: {  	v5 =	vsel vm1, $0x3B92F114, v5;
	v6 =	vsel vm1, $0x3D9C2025, v6;
	v10 =	vsel vm1, $0x3E17889D, v10  }
0x11: {  	v11 =	vsel vm1, $0x3E610127, v11;
	v12 =	vsel vm1, $0x3E953CD8, v12;
	v13 =	vsel vm1, $0x3EB9F91D, v13  }
0x12: {  	s3 =	sshll.u32 s0, $0x2;
	v14 =	vsel vm1, $0x3EDEB562, v14;
	v15 =	vsel vm1, $0x3F01B8D4, v15;
	v16 =	vsel vm1, $0x3F1416F6, v16  }
0x13: {  	s26 =	sand.u32 $0x1, s0;
	s6 =	sand.u32 $0x4, s3;
	s3 =	simm.s32 $0x0;
	v17 =	vsel vm1, $0x3F267519, v17;
	v18 =	vsel vm1, $0x3F38D33B, v18;
	v19 =	vsel vm1, $0x3F4B315E, v19  }
0x14: {  	v0 =	vlaneseq.u32;
	s15 =	sshll.u32 s26, $0x9;
	v20 =	vsel vm1, $0x3F5D8F80, v20;
	v21 =	vsel vm1, $0x3F6FEDA3, v21;
	[smem:$0x7FF] =	sst s3  }
0x15: {  	v5 =	vsel vm2, $0x3C12F114, v5;
	v6 =	vsel vm2, $0x3DA54F36, v6;
	v10 =	vsel vm2, $0x3E1C2025, v10  }
0x16: {  	s12 =	rddreg [dreg:$0x0];
	v11 =	vsel vm2, $0x3E6598AF, v11;
	v12 =	vsel vm2, $0x3E97889D, v12;
	v13 =	vsel vm2, $0x3EBC44E2, v13  }
0x17: {  	s13 =	rddreg [dreg:$0x1];
	v14 =	vsel vm2, $0x3EE10127, v14;
	v15 =	vsel vm2, $0x3F02DEB6, v15;
	v16 =	vsel vm2, $0x3F153CD8, v16  }
0x18: {  	s4 =	rddreg [dreg:$0x2];
	v17 =	vsel vm2, $0x3F279AFB, v17;
	v18 =	vsel vm2, $0x3F39F91D, v18;
	v19 =	vsel vm2, $0x3F4C5740, v19  }
0x19: {  	s1 =	rddreg [dreg:$0x3];
	s8 =	simm.s32 $0x8000;
	v0 =	vmul.u32 $0x8, v0;
	v20 =	vsel vm2, $0x3F5EB562, v20;
	v21 =	vsel vm2, $0x3F711385, v21;
	_ =	strace $0x80000047  }
0x1a: {  	v5 =	vsel vm3, $0x3C5C699E, v5;
	v6 =	vsel vm3, $0x3DAE7E48, v6;
	v10 =	vsel vm3, $0x3E20B7AE, v10  }
0x1b: {  	v11 =	vsel vm3, $0x3E6A3038, v11;
	v12 =	vsel vm3, $0x3E99D461, v12;
	v13 =	vsel vm3, $0x3EBE90A6, v13  }
0x1c: {  	v14 =	vsel vm3, $0x3EE34CEB, v14;
	v15 =	vsel vm3, $0x3F040498, v15;
	v16 =	vsel vm3, $0x3F1662BA, v16  }
0x1d: {  	v17 =	vsel vm3, $0x3F28C0DD, v17;
	v18 =	vsel vm3, $0x3F3B1EFF, v18;
	v19 =	vsel vm3, $0x3F4D7D22, v19  }
0x1e: {  	v20 =	vsel vm3, $0x3F5FDB44, v20;
	v21 =	vsel vm3, $0x3F723967, v21;
	v5 =	vsel vm6, $0x3C92F114, v5  }
0x1f: {  	v6 =	vsel vm6, $0x3DB7AD59, v6;
	v10 =	vsel vm6, $0x3E254F36, v10;
	v11 =	vsel vm6, $0x3E6EC7C0, v11  }
0x20: {  	s7 =	srdreg.scid;
	v12 =	vsel vm6, $0x3E9C2025, v12;
	v13 =	vsel vm6, $0x3EC0DC6A, v13;
	v14 =	vsel vm6, $0x3EE598AF, v14  }
0x21: {  	s10 =	sand.u32 $0x1, s7;
	s6 =	ssub.s32 s2, s6;
	v15 =	vsel vm6, $0x3F052A7A, v15;
	v16 =	vsel vm6, $0x3F17889D, v16;
	v17 =	vsel vm6, $0x3F29E6BF, v17  }
0x22: {  	s7 =	sshll.u32 s10, $0x4;
	s6 =	sshll.u32 s6, $0x8;
	v18 =	vsel vm6, $0x3F3C44E2, v18;
	v19 =	vsel vm6, $0x3F4EA304, v19;
	v20 =	vsel vm6, $0x3F610127, v20  }
0x23: {  	v1 =	vimm.f32 $0.0e+00;
	s25 =	sor.u32 s0, s7;
	v21 =	vsel vm6, $0x3F735F49, v21;
	s9 =	sand.u32 $0x7FFFF800, s6;
	v5 =	vsel vm9, $0x3CB7AD59, v5  }
0x24: {  	s16 =	sshll.u32 s26, $0xA;
	v2 =	vor.u32 $0x1, v0;
	v6 =	vsel vm9, $0x3DC0DC6A, v6;
	s6 =	smul.u32 $0xC80, s25;
	v10 =	vsel vm9, $0x3E29E6BF, v10  }
0x25: {  	v11 =	vsel vm9, $0x3E735F49, v11;
	v12 =	vsel vm9, $0x3E9E6BEA, v12;
	v13 =	vsel vm9, $0x3EC3282F, v13  }
0x26: {  	v14 =	vsel vm9, $0x3EE7E474, v14;
	v15 =	vsel vm9, $0x3F06505C, v15;
	v16 =	vsel vm9, $0x3F18AE7F, v16  }
0x27: {  	v17 =	vsel vm9, $0x3F2B0CA1, v17;
	v18 =	vsel vm9, $0x3F3D6AC4, v18;
	v19 =	vsel vm9, $0x3F4FC8E6, v19  }
0x28: {  	v20 =	vsel vm9, $0x3F622709, v20;
	v21 =	vsel vm9, $0x3F74852B, v21;
	v5 =	vsel vm12, $0x3CDC699E, v5  }
0x29: {  	v6 =	vsel vm12, $0x3DCA0B7C, v6;
	v10 =	vsel vm12, $0x3E2E7E48, v10;
	v11 =	vsel vm12, $0x3E77F6D2, v11  }
0x2a: {  	v12 =	vsel vm12, $0x3EA0B7AE, v12;
	v13 =	vsel vm12, $0x3EC573F3, v13;
	v14 =	vsel vm12, $0x3EEA3038, v14  }
0x2b: {  	v15 =	vsel vm12, $0x3F07763E, v15;
	v16 =	vsel vm12, $0x3F19D461, v16;
	v17 =	vsel vm12, $0x3F2C3283, v17  }
0x2c: {  	v18 =	vsel vm12, $0x3F3E90A6, v18;
	v19 =	vsel vm12, $0x3F50EEC8, v19;
	v20 =	vsel vm12, $0x3F634CEB, v20  }
0x2d: {  	p1 =	sne.s32 s5, $0x0;
	p0 =	seq.s32 s25, $0x0;
	v21 =	vsel vm12, $0x3F75AB0D, v21;
	v5 =	vsel vm13, $0x3D0092F2, v5;
	v6 =	vsel vm13, $0x3DD33A8D, v6  }
0x2e: {  	p0 =	por !p1, !p0;
	v10 =	vsel vm13, $0x3E3315D0, v10;
	v11 =	vsel vm13, $0x3E7C8E5A, v11;
	v12 =	vsel vm13, $0x3EA30372, v12  }
0x2f: {  	s5 =	simm.s32 $0x1;
	p0 =	por !p0, !p0;
	v13 =	vsel vm13, $0x3EC7BFB7, v13;
	v14 =	vsel vm13, $0x3EEC7BFC, v14;
	v15 =	vsel vm13, $0x3F089C21, v15  }
0x30: {  	s7 =	sshrl.u32 s25, $0x3;
	s5 =	simm.s32 @!p0 $0x0;
	v16 =	vsel vm13, $0x3F1AFA43, v16;
	v17 =	vsel vm13, $0x3F2D5866, v17;
	v18 =	vsel vm13, $0x3F3FB688, v18  }
0x31: {  	s5 =	ssub.s32 s7, s5;
	v19 =	vsel vm13, $0x3F5214AB, v19;
	v20 =	vsel vm13, $0x3F6472CD, v20;
	v21 =	vsel vm13, $0x3F76D0F0, v21  }
0x32: {  	v3 =	vor.u32 $0x2, v0;
	s4 =	sadd.s32 s6, s4;
	s6 =	simm.s32 $0x4000;
	s7 =	smul.u32 $0x2A000, s5;
	v5 =	vsel vm14, $0x3D12F114, v5;
	v6 =	vsel vm14, $0x3DDC699E, v6  }
0x33: {  	v4 =	vor.u32 $0x3, v0;
	s18 =	smul.u32 $0xE000, s5;
	s4 =	sadd.s32 $0x600, s4;
	v10 =	vsel vm14, $0x3E37AD59, v10;
	v11 =	vsel vm14, $0x3E8092F2, v11  }
0x34: {  	v12 =	vsel vm14, $0x3EA54F36, v12;
	v13 =	vsel vm14, $0x3ECA0B7C, v13;
	v14 =	vsel vm14, $0x3EEEC7C0, v14  }
0x35: {  	v15 =	vsel vm14, $0x3F09C203, v15;
	v16 =	vsel vm14, $0x3F1C2025, v16;
	v17 =	vsel vm14, $0x3F2E7E48, v17  }
0x36: {  	v18 =	vsel vm14, $0x3F40DC6A, v18;
	v19 =	vsel vm14, $0x3F533A8D, v19;
	v20 =	vsel vm14, $0x3F6598AF, v20  }
0x37: {  	v21 =	vsel vm14, $0x3F77F6D2, v21;
	v5 =	vsel vm11, $0x3D254F36, v5;
	v6 =	vsel vm11, $0x3DE598AF, v6  }
0x38: {  	v10 =	vsel vm11, $0x3E3C44E2, v10;
	v11 =	vsel vm11, $0x3E82DEB6, v11;
	v12 =	vsel vm11, $0x3EA79AFB, v12  }
0x39: {  	v13 =	vsel vm11, $0x3ECC5740, v13;
	v14 =	vsel vm11, $0x3EF11385, v14;
	v15 =	vsel vm11, $0x3F0AE7E5, v15  }
0x3a: {  	v16 =	vsel vm11, $0x3F1D4607, v16;
	v17 =	vsel vm11, $0x3F2FA42A, v17;
	v18 =	vsel vm11, $0x3F42024C, v18  }
0x3b: {  	v19 =	vsel vm11, $0x3F54606F, v19;
	v20 =	vsel vm11, $0x3F66BE91, v20;
	v21 =	vsel vm11, $0x3F791CB4, v21  }
0x3c: {  	v5 =	vsel vm10, $0x3D37AD59, v5;
	v6 =	vsel vm10, $0x3DEEC7C0, v6;
	v10 =	vsel vm10, $0x3E40DC6A, v10  }
0x3d: {  	v11 =	vsel vm10, $0x3E852A7A, v11;
	v12 =	vsel vm10, $0x3EA9E6BF, v12;
	v13 =	vsel vm10, $0x3ECEA304, v13  }
0x3e: {  	v14 =	vsel vm10, $0x3EF35F49, v14;
	v15 =	vsel vm10, $0x3F0C0DC7, v15;
	v16 =	vsel vm10, $0x3F1E6BEA, v16  }
0x3f: {  	v17 =	vsel vm10, $0x3F30CA0C, v17;
	v18 =	vsel vm10, $0x3F43282F, v18;
	v19 =	vsel vm10, $0x3F558651, v19  }
0x40: {  	v20 =	vsel vm10, $0x3F67E474, v20;
	v21 =	vsel vm10, $0x3F7A4296, v21;
	v5 =	vsel vm7, $0x3D4A0B7C, v5  }
0x41: {  	s5 =	simm.s32 $0x2000;
	s14 =	sadd.s32 s9, s7;
	s7 =	simm.s32 $0x6000;
	v7 =	vsel vm7, $0x3DF7F6D2, v6;
	v6 =	vor.u32 $0x4, v0;
	v10 =	vsel vm7, $0x3E4573F3, v10  }
0x42: {  	v11 =	vsel vm7, $0x3E87763E, v11;
	v12 =	vsel vm7, $0x3EAC3283, v12;
	v13 =	vsel vm7, $0x3ED0EEC8, v13  }
0x43: {  	v14 =	vsel vm7, $0x3EF5AB0D, v14;
	v15 =	vsel vm7, $0x3F0D33A9, v15;
	v16 =	vsel vm7, $0x3F1F91CC, v16  }
0x44: {  	v17 =	vsel vm7, $0x3F31EFEE, v17;
	v18 =	vsel vm7, $0x3F444E11, v18;
	v19 =	vsel vm7, $0x3F56AC33, v19  }
0x45: {  	v20 =	vsel vm7, $0x3F690A56, v20;
	v21 =	vsel vm7, $0x3F7B6878, v21;
	v5 =	vsel vm8, $0x3D5C699E, v5  }
0x46: {  	s11 =	sadd.s32 $0x1C000, s14;
	s17 =	sadd.s32 $0xE000, s14;
	v9 =	vsel vm8, $0x3E0092F2, v7;
	v7 =	vor.u32 $0x5, v0;
	v10 =	vsel vm8, $0x3E4A0B7C, v10  }
0x47: {  	v11 =	vsel vm8, $0x3E89C203, v11;
	v12 =	vsel vm8, $0x3EAE7E48, v12;
	v13 =	vsel vm8, $0x3ED33A8D, v13  }
0x48: {  	v14 =	vsel vm8, $0x3EF7F6D2, v14;
	v15 =	vsel vm8, $0x3F0E598B, v15;
	v16 =	vsel vm8, $0x3F20B7AE, v16  }
0x49: {  	v17 =	vsel vm8, $0x3F3315D0, v17;
	v18 =	vsel vm8, $0x3F4573F3, v18;
	v19 =	vsel vm8, $0x3F57D215, v19  }
0x4a: {  	v20 =	vsel vm8, $0x3F6A3038, v20;
	v21 =	vsel vm8, $0x3F7C8E5A, v21;
	v5 =	vsel vm4, $0x3D6EC7C0, v5  }
0x4b: {  	v9 =	vsel vm4, $0x3E052A7A, v9;
	v10 =	vsel vm4, $0x3E4EA304, v10;
	v11 =	vsel vm4, $0x3E8C0DC7, v11  }
0x4c: {  	v12 =	vsel vm4, $0x3EB0CA0C, v12;
	v13 =	vsel vm4, $0x3ED58651, v13;
	v14 =	vsel vm4, $0x3EFA4296, v14  }
0x4d: {  	s10 =	ssub.s32 $0x2, s10;
	v15 =	vsel vm4, $0x3F0F7F6E, v15;
	v16 =	vsel vm4, $0x3F21DD90, v16;
	v17 =	vsel vm4, $0x3F343BB3, v17  }
0x4e: {  	s19 =	sshrl.u32 s10, $0x1;
	s15 =	sor.u32 $0x80, s15;
	v18 =	vsel vm4, $0x3F4699D5, v18;
	v19 =	vsel vm4, $0x3F58F7F8, v19;
	v20 =	vsel vm4, $0x3F6B561A, v20  }
0x4f: {  	s16 =	sor.u32 $0x100, s16;
	s19 =	ssub.s32 s10, s19;
	s18 =	sadd.s32 s9, s18;
	v21 =	vsel vm4, $0x3F7DB43D, v21;
	v5 =	vsel vm5, $0x3D8092F2, v5;
	v9 =	vsel vm5, $0x3E09C203, v9  }
0x50: {  	s9 =	simm.s32 $0x1;
	s28 =	sshrl.u32 s14, $0x3;
	s31 =	sshrl.u32 s18, $0x3;
	v10 =	vsel vm5, $0x3E533A8D, v10;
	v11 =	vsel vm5, $0x3E8E598B, v11;
	v12 =	vsel vm5, $0x3EB315D0, v12  }
0x51: {  	s14 =	smax.u32 s19, $0x1;
	s18 =	simm.s32 $0x0;
	s10 =	sadd.s32 s12, s28;
	v13 =	vsel vm5, $0x3ED7D215, v13;
	v14 =	vsel vm5, $0x3EFC8E5A, v14;
	v15 =	vsel vm5, $0x3F10A550, v15  }
0x52: {  	s29 =	sshrl.u32 s17, $0x3;
	s30 =	sshrl.u32 s11, $0x3;
	s13 =	sadd.s32 s13, s31;
	v16 =	vsel vm5, $0x3F230372, v16;
	v17 =	vsel vm5, $0x3F356195, v17;
	v18 =	vsel vm5, $0x3F47BFB7, v18  }
0x53: {  	s17 =	simm.s32 $0x2;
	s11 =	sadd.s32 s12, s29;
	s12 =	sadd.s32 s12, s30;
	v19 =	vsel vm5, $0x3F5A1DDA, v19;
	v20 =	vsel vm5, $0x3F6C7BFC, v20;
	v21 =	vsel vm5, $0x3F7EDA1F, v21  }
.LBB2_1:
0x54: {  	[tilespmem:s3], [sflag:$0x1] =	stream.linear.gather [hbm4b:s10+s3], $0x2000, $0x38;
	[tilespmem:$0xE400] =	vst v63  }
0x55: {  	_ = 	snop  }
0x56: {  	[tilespmem:s5], [sflag:$0x1] =	stream.linear.gather [hbm4b:s11+s3], $0x2000, $0x38;
	[tilespmem:$0xE400] =	vst v63  }
0x57: {  	_ = 	snop  }
0x58: {  	[tilespmem:s6], [sflag:$0x1] =	stream.linear.gather [hbm4b:s12+s3], $0x2000, $0x38;
	[tilespmem:$0xE400] =	vst v63  }
0x59: {  	s19 =	simm.s32 $0x8100  }
0x5a: {  	[tilespmem:s7], [sflag:$0x1] =	stream.linear.gather [hbm4b:s13+s3], $0x2000, $0x38;
	[tilespmem:$0xE400] =	vst v63  }
0x5b: {  	[tilespmem:s19+$0xFFFFFF00] =	vst v1  }
0x5c: {  	[tilespmem:s19+$0xF0] =	vst v1  }
0x5d: {  	[tilespmem:s19+$0xE0] =	vst v1  }
0x5e: {  	[tilespmem:s19+$0xD0] =	vst v1  }
0x5f: {  	[tilespmem:s19+$0xC0] =	vst v1  }
0x60: {  	[tilespmem:s19+$0xB0] =	vst v1  }
0x61: {  	[tilespmem:s19+$0xA0] =	vst v1  }
0x62: {  	[tilespmem:s19+$0x90] =	vst v1  }
0x63: {  	[tilespmem:s19+$0x80] =	vst v1  }
0x64: {  	[tilespmem:s19+$0x70] =	vst v1  }
0x65: {  	[tilespmem:s19+$0x60] =	vst v1  }
0x66: {  	[tilespmem:s19+$0x50] =	vst v1  }
0x67: {  	[tilespmem:s19+$0x40] =	vst v1  }
0x68: {  	[tilespmem:s19+$0x30] =	vst v1  }
0x69: {  	[tilespmem:s19+$0x20] =	vst v1  }
0x6a: {  	[tilespmem:s19+$0x10] =	vst v1  }
0x6b: {  	[tilespmem:s19+$0x0] =	vst v1  }
0x6c: {  	[tilespmem:s19+$0xFFFFFFF0] =	vst v1  }
0x6d: {  	[tilespmem:s19+$0xFFFFFFE0] =	vst v1  }
0x6e: {  	[tilespmem:s19+$0xFFFFFFD0] =	vst v1  }
0x6f: {  	[tilespmem:s19+$0xFFFFFFC0] =	vst v1  }
0x70: {  	[tilespmem:s19+$0xFFFFFFB0] =	vst v1  }
0x71: {  	[tilespmem:s19+$0xFFFFFFA0] =	vst v1  }
0x72: {  	[tilespmem:s19+$0xFFFFFF90] =	vst v1  }
0x73: {  	[tilespmem:s19+$0xFFFFFF80] =	vst v1  }
0x74: {  	[tilespmem:s19+$0xFFFFFF70] =	vst v1  }
0x75: {  	[tilespmem:s19+$0xFFFFFF60] =	vst v1  }
0x76: {  	[tilespmem:s19+$0xFFFFFF50] =	vst v1  }
0x77: {  	[tilespmem:s19+$0xFFFFFF40] =	vst v1  }
0x78: {  	[tilespmem:s19+$0xFFFFFF30] =	vst v1  }
0x79: {  	s20 =	simm.s32 $0x0;
	[tilespmem:s19+$0xFFFFFF20] =	vst v1  }
.LBB2_2:
0x7a: {  	s20 =	sadd.s32 $0x4, s20;
	[tilespmem:s19+$0xFFFFFF10] =	vst v1;
	s19 =	sadd.s32 $0x200, s19  }
0x7b: {  	[tilespmem:s19+$0xFFFFFF00] =	vst v1;
	p0 =	slt.u32 s20, $0xC4  }
0x7c: {  	[tilespmem:s19+$0xF0] =	vst v1  }
0x7d: {  	[tilespmem:s19+$0xE0] =	vst v1  }
0x7e: {  	[tilespmem:s19+$0xD0] =	vst v1  }
0x7f: {  	[tilespmem:s19+$0xC0] =	vst v1  }
0x80: {  	[tilespmem:s19+$0xB0] =	vst v1  }
0x81: {  	[tilespmem:s19+$0xA0] =	vst v1  }
0x82: {  	[tilespmem:s19+$0x90] =	vst v1  }
0x83: {  	[tilespmem:s19+$0x80] =	vst v1  }
0x84: {  	[tilespmem:s19+$0x70] =	vst v1  }
0x85: {  	[tilespmem:s19+$0x60] =	vst v1  }
0x86: {  	[tilespmem:s19+$0x50] =	vst v1  }
0x87: {  	[tilespmem:s19+$0x40] =	vst v1  }
0x88: {  	[tilespmem:s19+$0x30] =	vst v1  }
0x89: {  	[tilespmem:s19+$0x20] =	vst v1  }
0x8a: {  	[tilespmem:s19+$0x10] =	vst v1  }
0x8b: {  	[tilespmem:s19+$0x0] =	vst v1  }
0x8c: {  	[tilespmem:s19+$0xFFFFFFF0] =	vst v1  }
0x8d: {  	[tilespmem:s19+$0xFFFFFFE0] =	vst v1  }
0x8e: {  	[tilespmem:s19+$0xFFFFFFD0] =	vst v1  }
0x8f: {  	[tilespmem:s19+$0xFFFFFFC0] =	vst v1  }
0x90: {  	[tilespmem:s19+$0xFFFFFFB0] =	vst v1  }
0x91: {  	[tilespmem:s19+$0xFFFFFFA0] =	vst v1  }
0x92: {  	[tilespmem:s19+$0xFFFFFF90] =	vst v1  }
0x93: {  	[tilespmem:s19+$0xFFFFFF80] =	vst v1  }
0x94: {  	[tilespmem:s19+$0xFFFFFF70] =	vst v1  }
.Ltmp0:
0x95: {  	[tilespmem:s19+$0xFFFFFF60] =	vst v1;
	(pc) =	sbr.rel @p0 .LBB2_2-.Ltmp0, $4  }
0x96: {  	[tilespmem:s19+$0xFFFFFF50] =	vst v1  }
0x97: {  	[tilespmem:s19+$0xFFFFFF40] =	vst v1  }
0x98: {  	[tilespmem:s19+$0xFFFFFF30] =	vst v1  }
0x99: {  	[tilespmem:s19+$0xFFFFFF20] =	vst v1  }
0x9a: {  	[tilespmem:s19+$0xFFFFFF10] =	vst v1  }
0x9b: {  	_ =	swait.ge [sflag:s9], $0x2000  }
0x9c: {  	[sflag:s9] =	ssyncset.done $0x0  }
0x9d: {  	[sflag:s9] =	ssyncadd.s32 $0xFFFFE000  }
0x9e: {  	_ =	swait.ge [sflag:s9], $0x2000  }
0x9f: {  	[sflag:s9] =	ssyncset.done $0x0  }
0xa0: {  	[sflag:s9] =	ssyncadd.s32 $0xFFFFE000  }
0xa1: {  	_ =	swait.ge [sflag:s9], $0x2000  }
0xa2: {  	[sflag:s9] =	ssyncset.done $0x0  }
0xa3: {  	[sflag:s9] =	ssyncadd.s32 $0xFFFFE000  }
0xa4: {  	s30 =	sadd.s32 $0xFFFFFF00, s16;
	s20 =	sadd.s32 $0xFFFFFF80, s15;
	_ =	swait.ge [sflag:s9], $0x2000  }
0xa5: {  	s19 =	sand.u32 $0x3800, s30;
	s20 =	sand.u32 $0x300, s20;
	[sflag:s9] =	ssyncset.done $0x0  }
0xa6: {  	s22 =	sor.u32 s20, s19;
	[sflag:s9] =	ssyncadd.s32 $0xFFFFE000  }
0xa7: {  	v22 =	vld [tilespmem:s22+$0x6000];
	_ =	sdelay $0x4  }
0xa8: {  	v22 =	vshll.u32 v22, $0x7  }
0xa9: {  	v23 =	vld [tilespmem:s22+$0x0];
	v24 =	vor.u32 v0, v22;
	_ =	sdelay $0x4  }
0xaa: {  	[tilespmem:v24+s8+$0x0] =	vst.idx.add.f32.msk $0xffff, v23  }
0xab: {  	v24 =	vor.u32 v2, v22;
	v23 =	vld [tilespmem:s22+$0x2000];
	_ =	sdelay $0x4  }
0xac: {  	[tilespmem:v24+s8+$0x0] =	vst.idx.add.f32.msk $0xffff, v23  }
0xad: {  	s31 =	sadd.s32 $0xFFFFFFFE, s2;
	v24 =	vor.u32 v3, v22;
	v23 =	vld [tilespmem:s22+$0x4000]  }
0xae: {  	s25 =	sadd.s32 $0x2, s31;
	v26 =	vor.u32 v4, v22  }
0xaf: {  	s21 =	sand.u32 $0x3800, s16;
	s23 =	sand.u32 $0x380, s15;
	s24 =	scvt.s32.f32 s25;
	v27 =	vor.u32 v6, v22  }
0xb0: {  	s19 =	sor.u32 s23, s21;
	v22 =	vor.u32 v7, v22  }
0xb1: {  	s26 =	smul.f32 $4.484305160e-03, s24;
	v28 =	vld [tilespmem:s19+$0x6000]  }
0xb2: {  	[tilespmem:v24+s8+$0x0] =	vst.idx.add.f32.msk $0xffff, v23  }
0xb3: {  	v25 =	vmov s26;
	[tilespmem:v26+s8+$0x0] =	vst.idx.add.f32.msk $0xffff, v5  }
0xb4: {  	[tilespmem:v27+s8+$0x0] =	vst.idx.add.f32.msk $0xffff, v25  }
0xb5: {  	[tilespmem:v22+s8+$0x0] =	vst.idx.add.f32.msk $0xffff, v8  }
0xb6: {  	v22 =	vld [tilespmem:s22+$0x6010];
	_ =	sdelay $0x2  }
0xb7: {  	v23 =	vshll.u32 v28, $0x7  }
0xb8: {  	v24 =	vld [tilespmem:s19+$0x0];
	v26 =	vor.u32 v0, v23  }
0xb9: {  	v22 =	vshll.u32 v22, $0x7  }
0xba: {  	v27 =	vld [tilespmem:s22+$0x10];
	v28 =	vor.u32 v0, v22;
	_ =	sdelay $0x2  }
0xbb: {  	[tilespmem:v26+s8+$0x0] =	vst.idx.add.f32.msk $0xffff, v24  }
0xbc: {  	v26 =	vor.u32 v2, v23;
	v24 =	vld [tilespmem:s19+$0x2000]  }
0xbd: {  	[tilespmem:v28+s8+$0x0] =	vst.idx.add.f32.msk $0xffff, v27  }
0xbe: {  	v28 =	vor.u32 v2, v22;
	v27 =	vld [tilespmem:s22+$0x2010];
	_ =	sdelay $0x2  }
0xbf: {  	[tilespmem:v26+s8+$0x0] =	vst.idx.add.f32.msk $0xffff, v24  }
0xc0: {  	v24 =	vld [tilespmem:s19+$0x4000]  }
0xc1: {  	v26 =	vor.u32 v3, v23;
	[tilespmem:v28+s8+$0x0] =	vst.idx.add.f32.msk $0xffff, v27  }
0xc2: {  	v28 =	vor.u32 v3, v22;
	v27 =	vld [tilespmem:s22+$0x4010]  }
0xc3: {  	v29 =	vor.u32 v4, v22  }
0xc4: {  	v30 =	vor.u32 v6, v22  }
0xc5: {  	v22 =	vor.u32 v7, v22  }
0xc6: {  	[tilespmem:v26+s8+$0x0] =	vst.idx.add.f32.msk $0xffff, v24  }
0xc7: {  	s20 =	sadd.s32 $0x3, s31;
	v24 =	vor.u32 v4, v23;
	[tilespmem:v28+s8+$0x0] =	vst.idx.add.f32.msk $0xffff, v27  }
0xc8: {  	s20 =	scvt.s32.f32 s20;
	v26 =	vor.u32 v6, v23;
	[tilespmem:v29+s8+$0x0] =	vst.idx.add.f32.msk $0xffff, v9  }
0xc9: {  	v23 =	vor.u32 v7, v23;
	[tilespmem:v30+s8+$0x0] =	vst.idx.add.f32.msk $0xffff, v25  }
0xca: {  	s20 =	smul.f32 $4.484305160e-03, s20;
	[tilespmem:v22+s8+$0x0] =	vst.idx.add.f32.msk $0xffff, v8  }
0xcb: {  	v27 =	vld [tilespmem:s22+$0x6020]  }
0xcc: {  	[tilespmem:v24+s8+$0x0] =	vst.idx.add.f32.msk $0xffff, v5;
	v22 =	vmov s20  }
0xcd: {  	[tilespmem:v26+s8+$0x0] =	vst.idx.add.f32.msk $0xffff, v22  }
0xce: {  	[tilespmem:v23+s8+$0x0] =	vst.idx.add.f32.msk $0xffff, v8  }
0xcf: {  	v23 =	vld [tilespmem:s19+$0x6010]  }
0xd0: {  	v24 =	vshll.u32 v27, $0x7  }
0xd1: {  	v26 =	vld [tilespmem:s22+$0x20];
	v27 =	vor.u32 v0, v24;
	_ =	sdelay $0x2  }
0xd2: {  	v23 =	vshll.u32 v23, $0x7  }
0xd3: {  	v28 =	vld [tilespmem:s19+$0x10];
	v29 =	vor.u32 v0, v23  }
0xd4: {  	[tilespmem:v27+s8+$0x0] =	vst.idx.add.f32.msk $0xffff, v26  }
0xd5: {  	v27 =	vor.u32 v2, v24;
	v26 =	vld [tilespmem:s22+$0x2020];
	_ =	sdelay $0x2  }
0xd6: {  	[tilespmem:v29+s8+$0x0] =	vst.idx.add.f32.msk $0xffff, v28  }
0xd7: {  	v29 =	vor.u32 v2, v23;
	v28 =	vld [tilespmem:s19+$0x2010]  }
0xd8: {  	[tilespmem:v27+s8+$0x0] =	vst.idx.add.f32.msk $0xffff, v26  }
0xd9: {  	v27 =	vor.u32 v3, v24;
	v26 =	vld [tilespmem:s22+$0x4020]  }
0xda: {  	v30 =	vor.u32 v4, v24  }
0xdb: {  	v31 =	vor.u32 v6, v24  }
0xdc: {  	v24 =	vor.u32 v7, v24;
	[tilespmem:v29+s8+$0x0] =	vst.idx.add.f32.msk $0xffff, v28  }
0xdd: {  	v28 =	vld [tilespmem:s19+$0x4010]  }
0xde: {  	[tilespmem:v27+s8+$0x0] =	vst.idx.add.f32.msk $0xffff, v26  }
0xdf: {  	[tilespmem:v30+s8+$0x0] =	vst.idx.add.f32.msk $0xffff, v10  }
0xe0: {  	[tilespmem:v31+s8+$0x0] =	vst.idx.add.f32.msk $0xffff, v25  }
0xe1: {  	[tilespmem:v24+s8+$0x0] =	vst.idx.add.f32.msk $0xffff, v8  }
0xe2: {  	v24 =	vor.u32 v3, v23;
	v26 =	vld [tilespmem:s22+$0x6030];
	_ =	sdelay $0x1  }
0xe3: {  	v27 =	vor.u32 v4, v23  }
0xe4: {  	v29 =	vor.u32 v6, v23  }
0xe5: {  	v23 =	vor.u32 v7, v23  }
0xe6: {  	[tilespmem:v24+s8+$0x0] =	vst.idx.add.f32.msk $0xffff, v28;
	v24 =	vshll.u32 v26, $0x7  }
0xe7: {  	v26 =	vld [tilespmem:s22+$0x30];
	v28 =	vor.u32 v0, v24  }
0xe8: {  	[tilespmem:v27+s8+$0x0] =	vst.idx.add.f32.msk $0xffff, v9  }
0xe9: {  	[tilespmem:v29+s8+$0x0] =	vst.idx.add.f32.msk $0xffff, v22  }
0xea: {  	[tilespmem:v23+s8+$0x0] =	vst.idx.add.f32.msk $0xffff, v8  }
0xeb: {  	v23 =	vld [tilespmem:s19+$0x6020]  }
0xec: {  	[tilespmem:v28+s8+$0x0] =	vst.idx.add.f32.msk $0xffff, v26  }
0xed: {  	v27 =	vor.u32 v2, v24;
	v26 =	vld [tilespmem:s22+$0x2030];
	_ =	sdelay $0x2  }
0xee: {  	v23 =	vshll.u32 v23, $0x7  }
0xef: {  	v28 =	vld [tilespmem:s19+$0x20];
	v29 =	vor.u32 v0, v23  }
0xf0: {  	[tilespmem:v27+s8+$0x0] =	vst.idx.add.f32.msk $0xffff, v26  }
0xf1: {  	v27 =	vor.u32 v3, v24;
	v26 =	vld [tilespmem:s22+$0x4030]  }
0xf2: {  	v30 =	vor.u32 v4, v24  }
0xf3: {  	v31 =	vor.u32 v6, v24  }
0xf4: {  	v24 =	vor.u32 v7, v24;
	[tilespmem:v29+s8+$0x0] =	vst.idx.add.f32.msk $0xffff, v28  }
0xf5: {  	v28 =	vld [tilespmem:s19+$0x2020]  }
0xf6: {  	[tilespmem:v27+s8+$0x0] =	vst.idx.add.f32.msk $0xffff, v26  }
0xf7: {  	[tilespmem:v30+s8+$0x0] =	vst.idx.add.f32.msk $0xffff, v11  }
0xf8: {  	[tilespmem:v31+s8+$0x0] =	vst.idx.add.f32.msk $0xffff, v25  }
0xf9: {  	v26 =	vor.u32 v2, v23;
	[tilespmem:v24+s8+$0x0] =	vst.idx.add.f32.msk $0xffff, v8  }
0xfa: {  	v24 =	vld [tilespmem:s22+$0x6040];
	_ =	sdelay $0x3  }
0xfb: {  	[tilespmem:v26+s8+$0x0] =	vst.idx.add.f32.msk $0xffff, v28  }
0xfc: {  	v27 =	vor.u32 v3, v23;
	v26 =	vld [tilespmem:s19+$0x4020];
	v24 =	vshll.u32 v24, $0x7  }
0xfd: {  	v28 =	vld [tilespmem:s22+$0x40];
	v29 =	vor.u32 v0, v24;
	_ =	sdelay $0x1  }
0xfe: {  	v30 =	vor.u32 v4, v23  }
0xff: {  	v31 =	vor.u32 v6, v23  }
0x100: {  	v23 =	vor.u32 v7, v23;
	[tilespmem:v27+s8+$0x0] =	vst.idx.add.f32.msk $0xffff, v26  }
0x101: {  	[tilespmem:v29+s8+$0x0] =	vst.idx.add.f32.msk $0xffff, v28  }
0x102: {  	v27 =	vor.u32 v2, v24;
	v26 =	vld [tilespmem:s22+$0x2040]  }
0x103: {  	[tilespmem:v30+s8+$0x0] =	vst.idx.add.f32.msk $0xffff, v10  }
0x104: {  	[tilespmem:v31+s8+$0x0] =	vst.idx.add.f32.msk $0xffff, v22  }
0x105: {  	[tilespmem:v23+s8+$0x0] =	vst.idx.add.f32.msk $0xffff, v8  }
0x106: {  	v23 =	vld [tilespmem:s19+$0x6030]  }
0x107: {  	[tilespmem:v27+s8+$0x0] =	vst.idx.add.f32.msk $0xffff, v26  }
0x108: {  	v27 =	vor.u32 v3, v24;
	v26 =	vld [tilespmem:s22+$0x4040]  }
0x109: {  	v28 =	vor.u32 v4, v24  }
0x10a: {  	v29 =	vor.u32 v6, v24  }
0x10b: {  	v24 =	vor.u32 v7, v24  }
0x10c: {  	v30 =	vld [tilespmem:s19+$0x30];
	v23 =	vshll.u32 v23, $0x7  }
0x10d: {  	[tilespmem:v27+s8+$0x0] =	vst.idx.add.f32.msk $0xffff, v26;
	v26 =	vor.u32 v0, v23  }
0x10e: {  	[tilespmem:v28+s8+$0x0] =	vst.idx.add.f32.msk $0xffff, v12  }
0x10f: {  	[tilespmem:v29+s8+$0x0] =	vst.idx.add.f32.msk $0xffff, v25  }
0x110: {  	[tilespmem:v24+s8+$0x0] =	vst.idx.add.f32.msk $0xffff, v8  }
0x111: {  	v24 =	vld [tilespmem:s22+$0x6050]  }
0x112: {  	[tilespmem:v26+s8+$0x0] =	vst.idx.add.f32.msk $0xffff, v30  }
0x113: {  	v27 =	vor.u32 v2, v23;
	v26 =	vld [tilespmem:s19+$0x2030];
	_ =	sdelay $0x2  }
0x114: {  	v24 =	vshll.u32 v24, $0x7  }
0x115: {  	v28 =	vld [tilespmem:s22+$0x50];
	v29 =	vor.u32 v0, v24  }
0x116: {  	[tilespmem:v27+s8+$0x0] =	vst.idx.add.f32.msk $0xffff, v26  }
0x117: {  	v27 =	vor.u32 v3, v23;
	v26 =	vld [tilespmem:s19+$0x4030]  }
0x118: {  	v30 =	vor.u32 v4, v23  }
0x119: {  	v31 =	vor.u32 v6, v23  }
0x11a: {  	v23 =	vor.u32 v7, v23;
	[tilespmem:v29+s8+$0x0] =	vst.idx.add.f32.msk $0xffff, v28  }
0x11b: {  	v29 =	vor.u32 v2, v24;
	v28 =	vld [tilespmem:s22+$0x2050]  }
0x11c: {  	[tilespmem:v27+s8+$0x0] =	vst.idx.add.f32.msk $0xffff, v26  }
0x11d: {  	[tilespmem:v30+s8+$0x0] =	vst.idx.add.f32.msk $0xffff, v11  }
0x11e: {  	[tilespmem:v31+s8+$0x0] =	vst.idx.add.f32.msk $0xffff, v22  }
0x11f: {  	[tilespmem:v23+s8+$0x0] =	vst.idx.add.f32.msk $0xffff, v8  }
0x120: {  	[tilespmem:v29+s8+$0x0] =	vst.idx.add.f32.msk $0xffff, v28  }
0x121: {  	v26 =	vor.u32 v3, v24;
	v23 =	vld [tilespmem:s22+$0x4050]  }
0x122: {  	v27 =	vor.u32 v4, v24;
	v28 =	vld [tilespmem:s19+$0x6040]  }
0x123: {  	v29 =	vor.u32 v6, v24  }
0x124: {  	v24 =	vor.u32 v7, v24  }
0x125: {  	v30 =	vld [tilespmem:s19+$0x40]  }
0x126: {  	[tilespmem:v26+s8+$0x0] =	vst.idx.add.f32.msk $0xffff, v23  }
0x127: {  	v23 =	vshll.u32 v28, $0x7;
	[tilespmem:v27+s8+$0x0] =	vst.idx.add.f32.msk $0xffff, v13  }
0x128: {  	v26 =	vor.u32 v0, v23;
	[tilespmem:v29+s8+$0x0] =	vst.idx.add.f32.msk $0xffff, v25  }
0x129: {  	[tilespmem:v24+s8+$0x0] =	vst.idx.add.f32.msk $0xffff, v8  }
0x12a: {  	v24 =	vld [tilespmem:s22+$0x6060];
	_ =	sdelay $0x2  }
0x12b: {  	[tilespmem:v26+s8+$0x0] =	vst.idx.add.f32.msk $0xffff, v30  }
0x12c: {  	v27 =	vor.u32 v2, v23;
	v26 =	vld [tilespmem:s19+$0x2040]  }
0x12d: {  	v24 =	vshll.u32 v24, $0x7  }
0x12e: {  	v28 =	vld [tilespmem:s22+$0x60];
	v29 =	vor.u32 v0, v24;
	_ =	sdelay $0x2  }
0x12f: {  	[tilespmem:v27+s8+$0x0] =	vst.idx.add.f32.msk $0xffff, v26  }
0x130: {  	v26 =	vld [tilespmem:s19+$0x4040]  }
0x131: {  	v27 =	vor.u32 v3, v23;
	[tilespmem:v29+s8+$0x0] =	vst.idx.add.f32.msk $0xffff, v28  }
0x132: {  	v29 =	vor.u32 v2, v24;
	v28 =	vld [tilespmem:s22+$0x2060];
	_ =	sdelay $0x1  }
0x133: {  	v30 =	vor.u32 v4, v23  }
0x134: {  	v31 =	vor.u32 v6, v23  }
0x135: {  	v23 =	vor.u32 v7, v23;
	[tilespmem:v27+s8+$0x0] =	vst.idx.add.f32.msk $0xffff, v26  }
0x136: {  	[tilespmem:v29+s8+$0x0] =	vst.idx.add.f32.msk $0xffff, v28  }
0x137: {  	v27 =	vor.u32 v3, v24;
	v26 =	vld [tilespmem:s22+$0x4060]  }
0x138: {  	[tilespmem:v30+s8+$0x0] =	vst.idx.add.f32.msk $0xffff, v12;
	v28 =	vor.u32 v4, v24  }
0x139: {  	[tilespmem:v31+s8+$0x0] =	vst.idx.add.f32.msk $0xffff, v22;
	v29 =	vor.u32 v6, v24  }
0x13a: {  	[tilespmem:v23+s8+$0x0] =	vst.idx.add.f32.msk $0xffff, v8;
	v23 =	vor.u32 v7, v24  }
0x13b: {  	v24 =	vld [tilespmem:s19+$0x6050]  }
0x13c: {  	[tilespmem:v27+s8+$0x0] =	vst.idx.add.f32.msk $0xffff, v26  }
0x13d: {  	[tilespmem:v28+s8+$0x0] =	vst.idx.add.f32.msk $0xffff, v14  }
0x13e: {  	[tilespmem:v29+s8+$0x0] =	vst.idx.add.f32.msk $0xffff, v25  }
0x13f: {  	[tilespmem:v23+s8+$0x0] =	vst.idx.add.f32.msk $0xffff, v8  }
0x140: {  	v23 =	vld [tilespmem:s22+$0x6070];
	_ =	sdelay $0x2  }
0x141: {  	v24 =	vshll.u32 v24, $0x7  }
0x142: {  	v26 =	vld [tilespmem:s19+$0x50];
	v27 =	vor.u32 v0, v24  }
0x143: {  	v23 =	vshll.u32 v23, $0x7  }
0x144: {  	v28 =	vld [tilespmem:s22+$0x70];
	v29 =	vor.u32 v0, v23;
	_ =	sdelay $0x2  }
0x145: {  	[tilespmem:v27+s8+$0x0] =	vst.idx.add.f32.msk $0xffff, v26  }
0x146: {  	v27 =	vor.u32 v2, v24;
	v26 =	vld [tilespmem:s19+$0x2050]  }
0x147: {  	[tilespmem:v29+s8+$0x0] =	vst.idx.add.f32.msk $0xffff, v28  }
0x148: {  	v29 =	vor.u32 v2, v23;
	v28 =	vld [tilespmem:s22+$0x2070];
	_ =	sdelay $0x2  }
0x149: {  	[tilespmem:v27+s8+$0x0] =	vst.idx.add.f32.msk $0xffff, v26  }
0x14a: {  	v26 =	vld [tilespmem:s19+$0x4050]  }
0x14b: {  	v27 =	vor.u32 v3, v24;
	[tilespmem:v29+s8+$0x0] =	vst.idx.add.f32.msk $0xffff, v28  }
0x14c: {  	v29 =	vor.u32 v3, v23;
	v28 =	vld [tilespmem:s22+$0x4070]  }
0x14d: {  	v30 =	vor.u32 v4, v23  }
0x14e: {  	v31 =	vor.u32 v6, v23  }
0x14f: {  	v23 =	vor.u32 v7, v23  }
0x150: {  	[tilespmem:v27+s8+$0x0] =	vst.idx.add.f32.msk $0xffff, v26  }
0x151: {  	v26 =	vor.u32 v4, v24;
	[tilespmem:v29+s8+$0x0] =	vst.idx.add.f32.msk $0xffff, v28  }
0x152: {  	v27 =	vor.u32 v6, v24;
	[tilespmem:v30+s8+$0x0] =	vst.idx.add.f32.msk $0xffff, v15  }
0x153: {  	v24 =	vor.u32 v7, v24;
	[tilespmem:v31+s8+$0x0] =	vst.idx.add.f32.msk $0xffff, v25  }
0x154: {  	[tilespmem:v23+s8+$0x0] =	vst.idx.add.f32.msk $0xffff, v8  }
0x155: {  	v23 =	vld [tilespmem:s22+$0x6400]  }
0x156: {  	[tilespmem:v26+s8+$0x0] =	vst.idx.add.f32.msk $0xffff, v13  }
0x157: {  	[tilespmem:v27+s8+$0x0] =	vst.idx.add.f32.msk $0xffff, v22  }
0x158: {  	[tilespmem:v24+s8+$0x0] =	vst.idx.add.f32.msk $0xffff, v8  }
0x159: {  	v24 =	vld [tilespmem:s19+$0x6060]  }
0x15a: {  	v23 =	vshll.u32 v23, $0x7  }
0x15b: {  	v26 =	vld [tilespmem:s22+$0x400];
	v27 =	vor.u32 v0, v23;
	_ =	sdelay $0x2  }
0x15c: {  	v24 =	vshll.u32 v24, $0x7  }
0x15d: {  	v28 =	vld [tilespmem:s19+$0x60];
	v29 =	vor.u32 v0, v24  }
0x15e: {  	[tilespmem:v27+s8+$0x0] =	vst.idx.add.f32.msk $0xffff, v26  }
0x15f: {  	v27 =	vor.u32 v2, v23;
	v26 =	vld [tilespmem:s22+$0x2400];
	_ =	sdelay $0x2  }
0x160: {  	[tilespmem:v29+s8+$0x0] =	vst.idx.add.f32.msk $0xffff, v28  }
0x161: {  	v28 =	vld [tilespmem:s19+$0x2060]  }
0x162: {  	v29 =	vor.u32 v2, v24;
	[tilespmem:v27+s8+$0x0] =	vst.idx.add.f32.msk $0xffff, v26  }
0x163: {  	v27 =	vor.u32 v3, v23;
	v26 =	vld [tilespmem:s22+$0x4400]  }
0x164: {  	v30 =	vor.u32 v4, v23  }
0x165: {  	v31 =	vor.u32 v6, v23  }
0x166: {  	v23 =	vor.u32 v7, v23  }
0x167: {  	[tilespmem:v29+s8+$0x0] =	vst.idx.add.f32.msk $0xffff, v28  }
0x168: {  	[tilespmem:v27+s8+$0x0] =	vst.idx.add.f32.msk $0xffff, v26  }
0x169: {  	[tilespmem:v30+s8+$0x0] =	vst.idx.add.f32.msk $0xffff, v16  }
0x16a: {  	[tilespmem:v31+s8+$0x0] =	vst.idx.add.f32.msk $0xffff, v25  }
0x16b: {  	[tilespmem:v23+s8+$0x0] =	vst.idx.add.f32.msk $0xffff, v8  }
0x16c: {  	v23 =	vld [tilespmem:s22+$0x6410]  }
0x16d: {  	v26 =	vld [tilespmem:s19+$0x4060];
	v27 =	vor.u32 v3, v24  }
0x16e: {  	v28 =	vor.u32 v4, v24  }
0x16f: {  	v29 =	vor.u32 v6, v24  }
0x170: {  	v24 =	vor.u32 v7, v24  }
0x171: {  	v30 =	vld [tilespmem:s22+$0x410];
	v23 =	vshll.u32 v23, $0x7  }
0x172: {  	[tilespmem:v27+s8+$0x0] =	vst.idx.add.f32.msk $0xffff, v26;
	v26 =	vor.u32 v0, v23  }
0x173: {  	[tilespmem:v28+s8+$0x0] =	vst.idx.add.f32.msk $0xffff, v14  }
0x174: {  	[tilespmem:v29+s8+$0x0] =	vst.idx.add.f32.msk $0xffff, v22  }
0x175: {  	[tilespmem:v24+s8+$0x0] =	vst.idx.add.f32.msk $0xffff, v8  }
0x176: {  	v24 =	vld [tilespmem:s19+$0x6070]  }
0x177: {  	[tilespmem:v26+s8+$0x0] =	vst.idx.add.f32.msk $0xffff, v30  }
0x178: {  	v27 =	vor.u32 v2, v23;
	v26 =	vld [tilespmem:s22+$0x2410];
	_ =	sdelay $0x2  }
0x179: {  	v24 =	vshll.u32 v24, $0x7  }
0x17a: {  	v28 =	vld [tilespmem:s19+$0x70];
	v29 =	vor.u32 v0, v24  }
0x17b: {  	[tilespmem:v27+s8+$0x0] =	vst.idx.add.f32.msk $0xffff, v26  }
0x17c: {  	v27 =	vor.u32 v3, v23;
	v26 =	vld [tilespmem:s22+$0x4410];
	_ =	sdelay $0x1  }
0x17d: {  	s23 =	sadd.s32 $0x100, s15;
	s24 =	sadd.s32 $0x200, s16;
	v30 =	vor.u32 v4, v23  }
0x17e: {  	s29 =	sadd.s32 $0xFFFFFF80, s23;
	s28 =	sadd.s32 $0xFFFFFF00, s24;
	v31 =	vor.u32 v6, v23;
	[tilespmem:v29+s8+$0x0] =	vst.idx.add.f32.msk $0xffff, v28  }
0x17f: {  	s21 =	sand.u32 $0x300, s29;
	s20 =	sand.u32 $0x3800, s28;
	v28 =	vld [tilespmem:s19+$0x2070];
	v23 =	vor.u32 v7, v23  }
0x180: {  	s21 =	sor.u32 s21, s20;
	[tilespmem:v27+s8+$0x0] =	vst.idx.add.f32.msk $0xffff, v26;
	v26 =	vor.u32 v2, v24  }
0x181: {  	v27 =	vld [tilespmem:s21+$0x6000]  }
0x182: {  	[tilespmem:v30+s8+$0x0] =	vst.idx.add.f32.msk $0xffff, v17  }
0x183: {  	[tilespmem:v31+s8+$0x0] =	vst.idx.add.f32.msk $0xffff, v25  }
0x184: {  	[tilespmem:v23+s8+$0x0] =	vst.idx.add.f32.msk $0xffff, v8  }
0x185: {  	s25 =	sand.u32 $0x380, s23;
	s30 =	sand.u32 $0x3800, s24;
	[tilespmem:v26+s8+$0x0] =	vst.idx.add.f32.msk $0xffff, v28  }
0x186: {  	s20 =	sor.u32 s25, s30;
	v26 =	vor.u32 v3, v24;
	v23 =	vld [tilespmem:s19+$0x4070]  }
0x187: {  	v29 =	vld [tilespmem:s20+$0x6000];
	v27 =	vshll.u32 v27, $0x7  }
0x188: {  	v31 =	vld [tilespmem:s21+$0x0];
	v32 =	vor.u32 v0, v27  }
0x189: {  	v28 =	vor.u32 v4, v24;
	_ =	sdelay $0x1  }
0x18a: {  	[tilespmem:v26+s8+$0x0] =	vst.idx.add.f32.msk $0xffff, v23  }
0x18b: {  	v34 =	vor.u32 v6, v24;
	v23 =	vor.u32 v7, v24;
	v24 =	vld [tilespmem:s20+$0x0]  }
0x18c: {  	v26 =	vshll.u32 v29, $0x7;
	[tilespmem:v32+s8+$0x0] =	vst.idx.add.f32.msk $0xffff, v31  }
0x18d: {  	[tilespmem:v28+s8+$0x0] =	vst.idx.add.f32.msk $0xffff, v15;
	v28 =	vor.u32 v0, v26  }
0x18e: {  	v31 =	vor.u32 v2, v27;
	v29 =	vld [tilespmem:s21+$0x2000]  }
0x18f: {  	v30 =	vld [tilespmem:s22+$0x6420]  }
0x190: {  	[tilespmem:v34+s8+$0x0] =	vst.idx.add.f32.msk $0xffff, v22  }
0x191: {  	[tilespmem:v23+s8+$0x0] =	vst.idx.add.f32.msk $0xffff, v8  }
0x192: {  	[tilespmem:v28+s8+$0x0] =	vst.idx.add.f32.msk $0xffff, v24  }
0x193: {  	[tilespmem:v31+s8+$0x0] =	vst.idx.add.f32.msk $0xffff, v29  }
0x194: {  	v24 =	vor.u32 v2, v26;
	v23 =	vld [tilespmem:s20+$0x2000]  }
0x195: {  	v29 =	vor.u32 v3, v27;
	v28 =	vld [tilespmem:s21+$0x4000]  }
0x196: {  	s31 =	sadd.s32 $0x0, s2;
	v31 =	vld [tilespmem:s19+$0x6400]  }
0x197: {  	s26 =	sadd.s32 $0x2, s31;
	v33 =	vld [tilespmem:s22+$0x420];
	v37 =	vor.u32 v4, v27  }
0x198: {  	s26 =	scvt.s32.f32 s26;
	v35 =	vor.u32 v6, v27;
	v34 =	vld [tilespmem:s19+$0x400]  }
0x199: {  	[tilespmem:v24+s8+$0x0] =	vst.idx.add.f32.msk $0xffff, v23;
	v24 =	vor.u32 v7, v27  }
0x19a: {  	s26 =	smul.f32 $4.484305160e-03, s26;
	v30 =	vshll.u32 v30, $0x7;
	[tilespmem:v29+s8+$0x0] =	vst.idx.add.f32.msk $0xffff, v28  }
0x19b: {  	v28 =	vor.u32 v0, v30;
	v29 =	vshll.u32 v31, $0x7;
	v27 =	vld [tilespmem:s20+$0x4000]  }
0x19c: {  	v23 =	vmov s26;
	[tilespmem:v37+s8+$0x0] =	vst.idx.add.f32.msk $0xffff, v5;
	v31 =	vor.u32 v0, v29  }
0x19d: {  	[tilespmem:v35+s8+$0x0] =	vst.idx.add.f32.msk $0xffff, v23  }
0x19e: {  	[tilespmem:v24+s8+$0x0] =	vst.idx.add.f32.msk $0xffff, v8  }
0x19f: {  	v24 =	vor.u32 v3, v26;
	v32 =	vld [tilespmem:s21+$0x6010]  }
0x1a0: {  	[tilespmem:v28+s8+$0x0] =	vst.idx.add.f32.msk $0xffff, v33  }
0x1a1: {  	v28 =	vor.u32 v4, v26;
	[tilespmem:v31+s8+$0x0] =	vst.idx.add.f32.msk $0xffff, v34  }
0x1a2: {  	s25 =	sadd.s32 $0x3, s31;
	v39 =	vor.u32 v2, v30;
	v31 =	vld [tilespmem:s22+$0x2420]  }
0x1a3: {  	s25 =	scvt.s32.f32 s25;
	v38 =	vor.u32 v6, v26  }
0x1a4: {  	[tilespmem:v24+s8+$0x0] =	vst.idx.add.f32.msk $0xffff, v27;
	v27 =	vshll.u32 v32, $0x7  }
0x1a5: {  	s25 =	smul.f32 $4.484305160e-03, s25;
	v40 =	vld [tilespmem:s21+$0x10];
	v41 =	vor.u32 v0, v27  }
0x1a6: {  	[tilespmem:v28+s8+$0x0] =	vst.idx.add.f32.msk $0xffff, v5  }
0x1a7: {  	v26 =	vor.u32 v7, v26;
	v24 =	vmov s25;
	[tilespmem:v39+s8+$0x0] =	vst.idx.add.f32.msk $0xffff, v31  }
0x1a8: {  	[tilespmem:v38+s8+$0x0] =	vst.idx.add.f32.msk $0xffff, v24  }
0x1a9: {  	v28 =	vld [tilespmem:s22+$0x4420]  }
0x1aa: {  	v31 =	vor.u32 v3, v30;
	[tilespmem:v41+s8+$0x0] =	vst.idx.add.f32.msk $0xffff, v40  }
0x1ab: {  	v42 =	vor.u32 v2, v27;
	v32 =	vld [tilespmem:s21+$0x2010]  }
0x1ac: {  	[tilespmem:v26+s8+$0x0] =	vst.idx.add.f32.msk $0xffff, v8  }
0x1ad: {  	v43 =	vor.u32 v4, v30;
	v26 =	vld [tilespmem:s20+$0x6010]  }
0x1ae: {  	v36 =	vor.u32 v6, v30;
	v44 =	vld [tilespmem:s20+$0x10]  }
0x1af: {  	v30 =	vor.u32 v7, v30;
	[tilespmem:v31+s8+$0x0] =	vst.idx.add.f32.msk $0xffff, v28  }
0x1b0: {  	[tilespmem:v42+s8+$0x0] =	vst.idx.add.f32.msk $0xffff, v32  }
0x1b1: {  	v31 =	vor.u32 v3, v27;
	v28 =	vld [tilespmem:s21+$0x4010]  }
0x1b2: {  	v45 =	vor.u32 v4, v27;
	[tilespmem:v43+s8+$0x0] =	vst.idx.add.f32.msk $0xffff, v18  }
0x1b3: {  	v46 =	vor.u32 v6, v27;
	[tilespmem:v36+s8+$0x0] =	vst.idx.add.f32.msk $0xffff, v25  }
0x1b4: {  	v27 =	vor.u32 v7, v27;
	[tilespmem:v30+s8+$0x0] =	vst.idx.add.f32.msk $0xffff, v8  }
0x1b5: {  	v30 =	vld [tilespmem:s22+$0x6430]  }
0x1b6: {  	[tilespmem:v31+s8+$0x0] =	vst.idx.add.f32.msk $0xffff, v28  }
0x1b7: {  	v26 =	vshll.u32 v26, $0x7;
	[tilespmem:v45+s8+$0x0] =	vst.idx.add.f32.msk $0xffff, v9  }
0x1b8: {  	v28 =	vor.u32 v0, v26;
	[tilespmem:v46+s8+$0x0] =	vst.idx.add.f32.msk $0xffff, v23  }
0x1b9: {  	[tilespmem:v27+s8+$0x0] =	vst.idx.add.f32.msk $0xffff, v8  }
0x1ba: {  	v27 =	vld [tilespmem:s21+$0x6020]  }
0x1bb: {  	v34 =	vld [tilespmem:s22+$0x430];
	v30 =	vshll.u32 v30, $0x7  }
0x1bc: {  	v49 =	vor.u32 v0, v30;
	v31 =	vld [tilespmem:s19+$0x2400]  }
0x1bd: {  	v47 =	vor.u32 v2, v29;
	[tilespmem:v28+s8+$0x0] =	vst.idx.add.f32.msk $0xffff, v44  }
0x1be: {  	v48 =	vor.u32 v2, v26;
	v28 =	vld [tilespmem:s20+$0x2010]  }
0x1bf: {  	v27 =	vshll.u32 v27, $0x7  }
0x1c0: {  	v50 =	vld [tilespmem:s21+$0x20];
	v37 =	vor.u32 v0, v27  }
0x1c1: {  	[tilespmem:v49+s8+$0x0] =	vst.idx.add.f32.msk $0xffff, v34  }
0x1c2: {  	[tilespmem:v47+s8+$0x0] =	vst.idx.add.f32.msk $0xffff, v31  }
0x1c3: {  	[tilespmem:v48+s8+$0x0] =	vst.idx.add.f32.msk $0xffff, v28  }
0x1c4: {  	v31 =	vor.u32 v2, v30;
	v28 =	vld [tilespmem:s22+$0x2430]  }
0x1c5: {  	[tilespmem:v37+s8+$0x0] =	vst.idx.add.f32.msk $0xffff, v50  }
0x1c6: {  	v52 =	vor.u32 v2, v27;
	v51 =	vld [tilespmem:s21+$0x2020]  }
0x1c7: {  	v55 =	vld [tilespmem:s19+$0x4400]  }
0x1c8: {  	v54 =	vor.u32 v3, v26;
	v53 =	vld [tilespmem:s20+$0x4010]  }
0x1c9: {  	v56 =	vor.u32 v4, v26;
	[tilespmem:v31+s8+$0x0] =	vst.idx.add.f32.msk $0xffff, v28  }
0x1ca: {  	v31 =	vor.u32 v3, v30;
	v28 =	vld [tilespmem:s22+$0x4430]  }
0x1cb: {  	v38 =	vor.u32 v4, v30;
	[tilespmem:v52+s8+$0x0] =	vst.idx.add.f32.msk $0xffff, v51  }
0x1cc: {  	v57 =	vor.u32 v3, v27;
	v32 =	vld [tilespmem:s21+$0x4020]  }
0x1cd: {  	v58 =	vor.u32 v4, v27;
	[tilespmem:v54+s8+$0x0] =	vst.idx.add.f32.msk $0xffff, v53  }
0x1ce: {  	v59 =	vor.u32 v6, v27;
	[tilespmem:v56+s8+$0x0] =	vst.idx.add.f32.msk $0xffff, v9  }
0x1cf: {  	v27 =	vor.u32 v7, v27;
	[tilespmem:v31+s8+$0x0] =	vst.idx.add.f32.msk $0xffff, v28  }
0x1d0: {  	[tilespmem:v38+s8+$0x0] =	vst.idx.add.f32.msk $0xffff, v19  }
0x1d1: {  	v28 =	vor.u32 v6, v30;
	[tilespmem:v57+s8+$0x0] =	vst.idx.add.f32.msk $0xffff, v32  }
0x1d2: {  	v31 =	vor.u32 v6, v26;
	[tilespmem:v58+s8+$0x0] =	vst.idx.add.f32.msk $0xffff, v10  }
0x1d3: {  	v30 =	vor.u32 v7, v30;
	[tilespmem:v59+s8+$0x0] =	vst.idx.add.f32.msk $0xffff, v23  }
0x1d4: {  	v26 =	vor.u32 v7, v26;
	[tilespmem:v27+s8+$0x0] =	vst.idx.add.f32.msk $0xffff, v8  }
0x1d5: {  	v27 =	vld [tilespmem:s21+$0x6030]  }
0x1d6: {  	[tilespmem:v28+s8+$0x0] =	vst.idx.add.f32.msk $0xffff, v25  }
0x1d7: {  	[tilespmem:v31+s8+$0x0] =	vst.idx.add.f32.msk $0xffff, v24  }
0x1d8: {  	[tilespmem:v30+s8+$0x0] =	vst.idx.add.f32.msk $0xffff, v8  }
0x1d9: {  	v30 =	vor.u32 v3, v29;
	[tilespmem:v26+s8+$0x0] =	vst.idx.add.f32.msk $0xffff, v8  }
0x1da: {  	v26 =	vor.u32 v4, v29;
	v28 =	vld [tilespmem:s22+$0x6440];
	v27 =	vshll.u32 v27, $0x7  }
0x1db: {  	v31 =	vld [tilespmem:s21+$0x30];
	v60 =	vor.u32 v0, v27  }
0x1dc: {  	v61 =	vld [tilespmem:s22+$0x440]  }
0x1dd: {  	v63 =	vld [tilespmem:s20+$0x6020]  }
0x1de: {  	v62 =	vor.u32 v6, v29;
	[tilespmem:v30+s8+$0x0] =	vst.idx.add.f32.msk $0xffff, v55  }
0x1df: {  	v29 =	vor.u32 v7, v29;
	[tilespmem:v26+s8+$0x0] =	vst.idx.add.f32.msk $0xffff, v16  }
0x1e0: {  	[tilespmem:v60+s8+$0x0] =	vst.idx.add.f32.msk $0xffff, v31  }
0x1e1: {  	v30 =	vor.u32 v2, v27;
	v26 =	vld [tilespmem:s21+$0x2030]  }
0x1e2: {  	v42 =	vld [tilespmem:s20+$0x20];
	v28 =	vshll.u32 v28, $0x7  }
0x1e3: {  	v41 =	vshll.u32 v63, $0x7;
	v40 =	vor.u32 v0, v28;
	[tilespmem:v62+s8+$0x0] =	vst.idx.add.f32.msk $0xffff, v22  }
0x1e4: {  	v43 =	vor.u32 v0, v41;
	[tilespmem:v29+s8+$0x0] =	vst.idx.add.f32.msk $0xffff, v8  }
0x1e5: {  	v44 =	vld [tilespmem:s19+$0x6410]  }
0x1e6: {  	[tilespmem:v30+s8+$0x0] =	vst.idx.add.f32.msk $0xffff, v26  }
0x1e7: {  	v30 =	vor.u32 v3, v27;
	v26 =	vld [tilespmem:s21+$0x4030]  }
0x1e8: {  	v29 =	vor.u32 v4, v27;
	[tilespmem:v40+s8+$0x0] =	vst.idx.add.f32.msk $0xffff, v61  }
0x1e9: {  	v45 =	vor.u32 v6, v27;
	[tilespmem:v43+s8+$0x0] =	vst.idx.add.f32.msk $0xffff, v42  }
0x1ea: {  	v33 =	vld [tilespmem:s20+$0x2020];
	v27 =	vor.u32 v7, v27  }
0x1eb: {  	v31 =	vld [tilespmem:s22+$0x2440]  }
0x1ec: {  	[tilespmem:v30+s8+$0x0] =	vst.idx.add.f32.msk $0xffff, v26  }
0x1ed: {  	v26 =	vor.u32 v2, v28;
	[tilespmem:v29+s8+$0x0] =	vst.idx.add.f32.msk $0xffff, v11  }
0x1ee: {  	[tilespmem:v45+s8+$0x0] =	vst.idx.add.f32.msk $0xffff, v23  }
0x1ef: {  	v29 =	vor.u32 v2, v41;
	[tilespmem:v27+s8+$0x0] =	vst.idx.add.f32.msk $0xffff, v8  }
0x1f0: {  	v27 =	vld [tilespmem:s21+$0x6040]  }
0x1f1: {  	v46 =	vshll.u32 v44, $0x7;
	v30 =	vld [tilespmem:s19+$0x410]  }
0x1f2: {  	[tilespmem:v26+s8+$0x0] =	vst.idx.add.f32.msk $0xffff, v31;
	v26 =	vor.u32 v0, v46  }
0x1f3: {  	v31 =	vld [tilespmem:s22+$0x4440]  }
0x1f4: {  	v47 =	vor.u32 v3, v28;
	[tilespmem:v29+s8+$0x0] =	vst.idx.add.f32.msk $0xffff, v33  }
0x1f5: {  	v48 =	vor.u32 v3, v41;
	v29 =	vld [tilespmem:s20+$0x4020];
	v27 =	vshll.u32 v27, $0x7  }
0x1f6: {  	v36 =	vld [tilespmem:s21+$0x40];
	v49 =	vor.u32 v0, v27  }
0x1f7: {  	[tilespmem:v26+s8+$0x0] =	vst.idx.add.f32.msk $0xffff, v30  }
0x1f8: {  	v26 =	vor.u32 v4, v41;
	v30 =	vld [tilespmem:s19+$0x2410]  }
0x1f9: {  	v50 =	vor.u32 v6, v41;
	[tilespmem:v47+s8+$0x0] =	vst.idx.add.f32.msk $0xffff, v31  }
0x1fa: {  	v31 =	vor.u32 v7, v41;
	[tilespmem:v48+s8+$0x0] =	vst.idx.add.f32.msk $0xffff, v29  }
0x1fb: {  	[tilespmem:v49+s8+$0x0] =	vst.idx.add.f32.msk $0xffff, v36  }
0x1fc: {  	v51 =	vor.u32 v2, v27;
	v29 =	vld [tilespmem:s21+$0x2040]  }
0x1fd: {  	[tilespmem:v26+s8+$0x0] =	vst.idx.add.f32.msk $0xffff, v10  }
0x1fe: {  	v26 =	vor.u32 v2, v46;
	[tilespmem:v50+s8+$0x0] =	vst.idx.add.f32.msk $0xffff, v24  }
0x1ff: {  	[tilespmem:v31+s8+$0x0] =	vst.idx.add.f32.msk $0xffff, v8  }
0x200: {  	v31 =	vor.u32 v4, v28;
	v33 =	vld [tilespmem:s20+$0x6030]  }
0x201: {  	[tilespmem:v51+s8+$0x0] =	vst.idx.add.f32.msk $0xffff, v29  }
0x202: {  	v52 =	vor.u32 v3, v27;
	v29 =	vld [tilespmem:s21+$0x4040]  }
0x203: {  	[tilespmem:v26+s8+$0x0] =	vst.idx.add.f32.msk $0xffff, v30;
	v26 =	vor.u32 v4, v27  }
0x204: {  	v53 =	vor.u32 v6, v27;
	v30 =	vld [tilespmem:s19+$0x4410]  }
0x205: {  	v27 =	vor.u32 v7, v27;
	[tilespmem:v31+s8+$0x0] =	vst.idx.add.f32.msk $0xffff, v20  }
0x206: {  	v31 =	vld [tilespmem:s20+$0x30];
	v33 =	vshll.u32 v33, $0x7  }
0x207: {  	[tilespmem:v52+s8+$0x0] =	vst.idx.add.f32.msk $0xffff, v29;
	v29 =	vor.u32 v0, v33  }
0x208: {  	[tilespmem:v26+s8+$0x0] =	vst.idx.add.f32.msk $0xffff, v12  }
0x209: {  	v26 =	vor.u32 v3, v46;
	[tilespmem:v53+s8+$0x0] =	vst.idx.add.f32.msk $0xffff, v23  }
0x20a: {  	v54 =	vor.u32 v4, v46;
	[tilespmem:v27+s8+$0x0] =	vst.idx.add.f32.msk $0xffff, v8  }
0x20b: {  	v27 =	vor.u32 v6, v46;
	v35 =	vld [tilespmem:s21+$0x6050]  }
0x20c: {  	[tilespmem:v29+s8+$0x0] =	vst.idx.add.f32.msk $0xffff, v31  }
0x20d: {  	v31 =	vor.u32 v2, v33;
	v29 =	vld [tilespmem:s20+$0x2030]  }
0x20e: {  	[tilespmem:v26+s8+$0x0] =	vst.idx.add.f32.msk $0xffff, v30  }
0x20f: {  	v26 =	vor.u32 v7, v46;
	[tilespmem:v54+s8+$0x0] =	vst.idx.add.f32.msk $0xffff, v17  }
0x210: {  	[tilespmem:v27+s8+$0x0] =	vst.idx.add.f32.msk $0xffff, v22;
	v27 =	vshll.u32 v35, $0x7  }
0x211: {  	v30 =	vld [tilespmem:s21+$0x50];
	v55 =	vor.u32 v0, v27  }
0x212: {  	[tilespmem:v31+s8+$0x0] =	vst.idx.add.f32.msk $0xffff, v29  }
0x213: {  	v31 =	vor.u32 v3, v33;
	v29 =	vld [tilespmem:s20+$0x4030]  }
0x214: {  	[tilespmem:v26+s8+$0x0] =	vst.idx.add.f32.msk $0xffff, v8;
	v26 =	vor.u32 v4, v33  }
0x215: {  	v57 =	vor.u32 v6, v33;
	v56 =	vld [tilespmem:s19+$0x6420]  }
0x216: {  	[tilespmem:v55+s8+$0x0] =	vst.idx.add.f32.msk $0xffff, v30;
	v30 =	vor.u32 v7, v33  }
0x217: {  	v58 =	vor.u32 v2, v27;
	v32 =	vld [tilespmem:s21+$0x2050]  }
0x218: {  	[tilespmem:v31+s8+$0x0] =	vst.idx.add.f32.msk $0xffff, v29  }
0x219: {  	[tilespmem:v26+s8+$0x0] =	vst.idx.add.f32.msk $0xffff, v11  }
0x21a: {  	v26 =	vor.u32 v6, v28;
	[tilespmem:v57+s8+$0x0] =	vst.idx.add.f32.msk $0xffff, v24  }
0x21b: {  	[tilespmem:v30+s8+$0x0] =	vst.idx.add.f32.msk $0xffff, v8  }
0x21c: {  	[tilespmem:v58+s8+$0x0] =	vst.idx.add.f32.msk $0xffff, v32  }
0x21d: {  	v30 =	vor.u32 v3, v27;
	v29 =	vld [tilespmem:s21+$0x4050]  }
0x21e: {  	v31 =	vor.u32 v4, v27;
	v59 =	vld [tilespmem:s20+$0x6040]  }
0x21f: {  	v61 =	vor.u32 v6, v27;
	[tilespmem:v26+s8+$0x0] =	vst.idx.add.f32.msk $0xffff, v25;
	v26 =	vor.u32 v7, v27;
	v27 =	vshll.u32 v56, $0x7  }
0x220: {  	v60 =	vld [tilespmem:s19+$0x420];
	v63 =	vor.u32 v0, v27  }
0x221: {  	v62 =	vld [tilespmem:s20+$0x40]  }
0x222: {  	[tilespmem:v30+s8+$0x0] =	vst.idx.add.f32.msk $0xffff, v29  }
0x223: {  	[tilespmem:v31+s8+$0x0] =	vst.idx.add.f32.msk $0xffff, v13  }
0x224: {  	v29 =	vshll.u32 v59, $0x7;
	[tilespmem:v61+s8+$0x0] =	vst.idx.add.f32.msk $0xffff, v23  }
0x225: {  	v30 =	vor.u32 v0, v29;
	[tilespmem:v63+s8+$0x0] =	vst.idx.add.f32.msk $0xffff, v60  }
0x226: {  	[tilespmem:v26+s8+$0x0] =	vst.idx.add.f32.msk $0xffff, v8  }
0x227: {  	v26 =	vor.u32 v7, v28;
	v31 =	vld [tilespmem:s19+$0x2420]  }
0x228: {  	v40 =	vor.u32 v2, v27;
	v28 =	vld [tilespmem:s21+$0x6060];
	_ =	sdelay $0x1  }
0x229: {  	[tilespmem:v30+s8+$0x0] =	vst.idx.add.f32.msk $0xffff, v62  }
0x22a: {  	v30 =	vld [tilespmem:s20+$0x2040]  }
0x22b: {  	v41 =	vor.u32 v2, v29;
	[tilespmem:v26+s8+$0x0] =	vst.idx.add.f32.msk $0xffff, v8  }
0x22c: {  	[tilespmem:v40+s8+$0x0] =	vst.idx.add.f32.msk $0xffff, v31;
	v26 =	vshll.u32 v28, $0x7  }
0x22d: {  	v28 =	vld [tilespmem:s21+$0x60];
	v42 =	vor.u32 v0, v26  }
0x22e: {  	v31 =	vld [tilespmem:s19+$0x4420]  }
0x22f: {  	v46 =	vld [tilespmem:s22+$0x6450]  }
0x230: {  	[tilespmem:v41+s8+$0x0] =	vst.idx.add.f32.msk $0xffff, v30;
	v30 =	vor.u32 v3, v27  }
0x231: {  	v44 =	vor.u32 v3, v29;
	v43 =	vld [tilespmem:s20+$0x4040]  }
0x232: {  	v48 =	vor.u32 v4, v29;
	[tilespmem:v42+s8+$0x0] =	vst.idx.add.f32.msk $0xffff, v28  }
0x233: {  	v45 =	vor.u32 v2, v26;
	v28 =	vld [tilespmem:s21+$0x2060]  }
0x234: {  	v47 =	vld [tilespmem:s22+$0x450]  }
0x235: {  	[tilespmem:v30+s8+$0x0] =	vst.idx.add.f32.msk $0xffff, v31;
	v30 =	vor.u32 v6, v29  }
0x236: {  	v29 =	vor.u32 v7, v29;
	[tilespmem:v44+s8+$0x0] =	vst.idx.add.f32.msk $0xffff, v43  }
0x237: {  	[tilespmem:v48+s8+$0x0] =	vst.idx.add.f32.msk $0xffff, v12  }
0x238: {  	v50 =	vor.u32 v4, v27;
	[tilespmem:v45+s8+$0x0] =	vst.idx.add.f32.msk $0xffff, v28  }
0x239: {  	v31 =	vor.u32 v3, v26;
	v28 =	vld [tilespmem:s21+$0x4060]  }
0x23a: {  	[tilespmem:v30+s8+$0x0] =	vst.idx.add.f32.msk $0xffff, v24  }
0x23b: {  	v49 =	vor.u32 v4, v26;
	[tilespmem:v29+s8+$0x0] =	vst.idx.add.f32.msk $0xffff, v8  }
0x23c: {  	v30 =	vor.u32 v6, v26;
	v29 =	vld [tilespmem:s20+$0x6050]  }
0x23d: {  	[tilespmem:v50+s8+$0x0] =	vst.idx.add.f32.msk $0xffff, v18;
	v26 =	vor.u32 v7, v26  }
0x23e: {  	[tilespmem:v31+s8+$0x0] =	vst.idx.add.f32.msk $0xffff, v28  }
0x23f: {  	v28 =	vor.u32 v6, v27;
	v31 =	vld [tilespmem:s20+$0x50]  }
0x240: {  	v27 =	vor.u32 v7, v27;
	[tilespmem:v49+s8+$0x0] =	vst.idx.add.f32.msk $0xffff, v14  }
0x241: {  	[tilespmem:v30+s8+$0x0] =	vst.idx.add.f32.msk $0xffff, v23;
	v29 =	vshll.u32 v29, $0x7  }
0x242: {  	[tilespmem:v26+s8+$0x0] =	vst.idx.add.f32.msk $0xffff, v8;
	v51 =	vor.u32 v0, v29  }
0x243: {  	v30 =	vld [tilespmem:s21+$0x6070]  }
0x244: {  	[tilespmem:v28+s8+$0x0] =	vst.idx.add.f32.msk $0xffff, v22  }
0x245: {  	[tilespmem:v27+s8+$0x0] =	vst.idx.add.f32.msk $0xffff, v8  }
0x246: {  	v26 =	vshll.u32 v46, $0x7;
	v28 =	vld [tilespmem:s19+$0x6430]  }
0x247: {  	v27 =	vor.u32 v0, v26;
	[tilespmem:v51+s8+$0x0] =	vst.idx.add.f32.msk $0xffff, v31  }
0x248: {  	v55 =	vor.u32 v2, v29;
	v30 =	vshll.u32 v30, $0x7;
	v31 =	vld [tilespmem:s20+$0x2050]  }
0x249: {  	v52 =	vld [tilespmem:s21+$0x70];
	v53 =	vor.u32 v0, v30;
	_ =	sdelay $0x1  }
0x24a: {  	v54 =	vld [tilespmem:s19+$0x430]  }
0x24b: {  	[tilespmem:v27+s8+$0x0] =	vst.idx.add.f32.msk $0xffff, v47;
	v27 =	vshll.u32 v28, $0x7  }
0x24c: {  	v28 =	vor.u32 v0, v27;
	[tilespmem:v55+s8+$0x0] =	vst.idx.add.f32.msk $0xffff, v31  }
0x24d: {  	[tilespmem:v53+s8+$0x0] =	vst.idx.add.f32.msk $0xffff, v52  }
0x24e: {  	v57 =	vor.u32 v3, v29;
	v31 =	vld [tilespmem:s20+$0x4050]  }
0x24f: {  	v56 =	vor.u32 v2, v30;
	v33 =	vld [tilespmem:s21+$0x2070];
	_ =	sdelay $0x1  }
0x250: {  	v58 =	vor.u32 v4, v29;
	[tilespmem:v28+s8+$0x0] =	vst.idx.add.f32.msk $0xffff, v54  }
0x251: {  	v28 =	vor.u32 v6, v29;
	v61 =	vld [tilespmem:s19+$0x2430]  }
0x252: {  	[tilespmem:v57+s8+$0x0] =	vst.idx.add.f32.msk $0xffff, v31  }
0x253: {  	[tilespmem:v56+s8+$0x0] =	vst.idx.add.f32.msk $0xffff, v33  }
0x254: {  	v60 =	vor.u32 v3, v30;
	v59 =	vld [tilespmem:s21+$0x4070]  }
0x255: {  	v62 =	vor.u32 v4, v30;
	[tilespmem:v58+s8+$0x0] =	vst.idx.add.f32.msk $0xffff, v13  }
0x256: {  	[tilespmem:v28+s8+$0x0] =	vst.idx.add.f32.msk $0xffff, v24;
	v28 =	vor.u32 v7, v29;
	v29 =	vor.u32 v2, v27  }
0x257: {  	v31 =	vor.u32 v6, v30  }
0x258: {  	v36 =	vld [tilespmem:s22+$0x2450]  }
0x259: {  	v30 =	vor.u32 v7, v30;
	[tilespmem:v60+s8+$0x0] =	vst.idx.add.f32.msk $0xffff, v59  }
0x25a: {  	[tilespmem:v62+s8+$0x0] =	vst.idx.add.f32.msk $0xffff, v15  }
0x25b: {  	[tilespmem:v29+s8+$0x0] =	vst.idx.add.f32.msk $0xffff, v61  }
0x25c: {  	[tilespmem:v31+s8+$0x0] =	vst.idx.add.f32.msk $0xffff, v23  }
0x25d: {  	v63 =	vor.u32 v3, v27;
	v29 =	vld [tilespmem:s19+$0x4430]  }
0x25e: {  	[tilespmem:v30+s8+$0x0] =	vst.idx.add.f32.msk $0xffff, v8  }
0x25f: {  	v30 =	vld [tilespmem:s21+$0x6400]  }
0x260: {  	[tilespmem:v28+s8+$0x0] =	vst.idx.add.f32.msk $0xffff, v8;
	v28 =	vor.u32 v2, v26  }
0x261: {  	v41 =	vor.u32 v4, v27;
	v31 =	vld [tilespmem:s20+$0x6060]  }
0x262: {  	[tilespmem:v63+s8+$0x0] =	vst.idx.add.f32.msk $0xffff, v29;
	v29 =	vor.u32 v6, v27  }
0x263: {  	v40 =	vld [tilespmem:s20+$0x60];
	v27 =	vor.u32 v7, v27  }
0x264: {  	v42 =	vld [tilespmem:s21+$0x400];
	v30 =	vshll.u32 v30, $0x7  }
0x265: {  	[tilespmem:v28+s8+$0x0] =	vst.idx.add.f32.msk $0xffff, v36;
	v43 =	vor.u32 v0, v30  }
0x266: {  	[tilespmem:v41+s8+$0x0] =	vst.idx.add.f32.msk $0xffff, v19  }
0x267: {  	v28 =	vshll.u32 v31, $0x7;
	[tilespmem:v29+s8+$0x0] =	vst.idx.add.f32.msk $0xffff, v22  }
0x268: {  	v44 =	vor.u32 v0, v28;
	[tilespmem:v27+s8+$0x0] =	vst.idx.add.f32.msk $0xffff, v8  }
0x269: {  	v50 =	vld [tilespmem:s19+$0x6440]  }
0x26a: {  	[tilespmem:v43+s8+$0x0] =	vst.idx.add.f32.msk $0xffff, v42  }
0x26b: {  	v46 =	vor.u32 v2, v30;
	v45 =	vld [tilespmem:s21+$0x2400];
	_ =	sdelay $0x1  }
0x26c: {  	[tilespmem:v44+s8+$0x0] =	vst.idx.add.f32.msk $0xffff, v40  }
0x26d: {  	v47 =	vor.u32 v2, v28;
	v33 =	vld [tilespmem:s20+$0x2060]  }
0x26e: {  	v51 =	vld [tilespmem:s19+$0x440];
	v52 =	vshll.u32 v50, $0x7  }
0x26f: {  	v54 =	vor.u32 v0, v52;
	[tilespmem:v46+s8+$0x0] =	vst.idx.add.f32.msk $0xffff, v45  }
0x270: {  	v29 =	vor.u32 v3, v30;
	v27 =	vld [tilespmem:s21+$0x4400]  }
0x271: {  	v31 =	vld [tilespmem:s22+$0x4450];
	v48 =	vor.u32 v4, v30  }
0x272: {  	v49 =	vor.u32 v6, v30;
	[tilespmem:v47+s8+$0x0] =	vst.idx.add.f32.msk $0xffff, v33  }
0x273: {  	v30 =	vor.u32 v7, v30;
	v36 =	vld [tilespmem:s20+$0x4060]  }
0x274: {  	[tilespmem:v54+s8+$0x0] =	vst.idx.add.f32.msk $0xffff, v51  }
0x275: {  	[tilespmem:v29+s8+$0x0] =	vst.idx.add.f32.msk $0xffff, v27  }
0x276: {  	v27 =	vor.u32 v3, v28;
	[tilespmem:v48+s8+$0x0] =	vst.idx.add.f32.msk $0xffff, v16  }
0x277: {  	v29 =	vor.u32 v4, v28;
	[tilespmem:v49+s8+$0x0] =	vst.idx.add.f32.msk $0xffff, v23  }
0x278: {  	[tilespmem:v30+s8+$0x0] =	vst.idx.add.f32.msk $0xffff, v8;
	v30 =	vor.u32 v6, v28  }
0x279: {  	v28 =	vor.u32 v7, v28;
	v32 =	vld [tilespmem:s21+$0x6410]  }
0x27a: {  	v35 =	vld [tilespmem:s19+$0x2440]  }
0x27b: {  	[tilespmem:v27+s8+$0x0] =	vst.idx.add.f32.msk $0xffff, v36  }
0x27c: {  	[tilespmem:v29+s8+$0x0] =	vst.idx.add.f32.msk $0xffff, v14  }
0x27d: {  	v55 =	vor.u32 v2, v52;
	[tilespmem:v30+s8+$0x0] =	vst.idx.add.f32.msk $0xffff, v24  }
0x27e: {  	v27 =	vshll.u32 v32, $0x7;
	[tilespmem:v28+s8+$0x0] =	vst.idx.add.f32.msk $0xffff, v8;
	v28 =	vor.u32 v3, v26  }
0x27f: {  	v53 =	vld [tilespmem:s21+$0x410];
	v29 =	vor.u32 v0, v27  }
0x280: {  	v30 =	vld [tilespmem:s20+$0x6070];
	_ =	sdelay $0x1  }
0x281: {  	[tilespmem:v55+s8+$0x0] =	vst.idx.add.f32.msk $0xffff, v35  }
0x282: {  	[tilespmem:v28+s8+$0x0] =	vst.idx.add.f32.msk $0xffff, v31;
	v28 =	vor.u32 v4, v26  }
0x283: {  	[tilespmem:v29+s8+$0x0] =	vst.idx.add.f32.msk $0xffff, v53;
	v29 =	vor.u32 v6, v26  }
0x284: {  	v56 =	vor.u32 v2, v27;
	v30 =	vshll.u32 v30, $0x7;
	v31 =	vld [tilespmem:s21+$0x2410]  }
0x285: {  	v36 =	vld [tilespmem:s20+$0x70];
	v57 =	vor.u32 v0, v30  }
0x286: {  	v35 =	vld [tilespmem:s19+$0x4440]  }
0x287: {  	v63 =	vor.u32 v7, v26;
	[tilespmem:v28+s8+$0x0] =	vst.idx.add.f32.msk $0xffff, v21  }
0x288: {  	[tilespmem:v29+s8+$0x0] =	vst.idx.add.f32.msk $0xffff, v25  }
0x289: {  	v25 =	vor.u32 v3, v52;
	[tilespmem:v56+s8+$0x0] =	vst.idx.add.f32.msk $0xffff, v31  }
0x28a: {  	v28 =	vor.u32 v4, v52;
	[tilespmem:v57+s8+$0x0] =	vst.idx.add.f32.msk $0xffff, v36  }
0x28b: {  	v31 =	vor.u32 v3, v27;
	v29 =	vld [tilespmem:s21+$0x4410]  }
0x28c: {  	v58 =	vor.u32 v4, v27;
	[tilespmem:v63+s8+$0x0] =	vst.idx.add.f32.msk $0xffff, v8  }
0x28d: {  	v59 =	vor.u32 v6, v27;
	v36 =	vld [tilespmem:s20+$0x2070]  }
0x28e: {  	v27 =	vor.u32 v7, v27;
	[tilespmem:v25+s8+$0x0] =	vst.idx.add.f32.msk $0xffff, v35  }
0x28f: {  	v25 =	vor.u32 v6, v52;
	[tilespmem:v28+s8+$0x0] =	vst.idx.add.f32.msk $0xffff, v20  }
0x290: {  	v28 =	vor.u32 v7, v52;
	[tilespmem:v31+s8+$0x0] =	vst.idx.add.f32.msk $0xffff, v29  }
0x291: {  	v29 =	vor.u32 v2, v30;
	[tilespmem:v58+s8+$0x0] =	vst.idx.add.f32.msk $0xffff, v17  }
0x292: {  	[tilespmem:v59+s8+$0x0] =	vst.idx.add.f32.msk $0xffff, v23  }
0x293: {  	[tilespmem:v27+s8+$0x0] =	vst.idx.add.f32.msk $0xffff, v8  }
0x294: {  	[tilespmem:v25+s8+$0x0] =	vst.idx.add.f32.msk $0xffff, v22  }
0x295: {  	[tilespmem:v28+s8+$0x0] =	vst.idx.add.f32.msk $0xffff, v8  }
0x296: {  	[tilespmem:v29+s8+$0x0] =	vst.idx.add.f32.msk $0xffff, v36  }
0x297: {  	v31 =	vor.u32 v3, v30;
	v25 =	vld [tilespmem:s20+$0x4070]  }
0x298: {  	v60 =	vor.u32 v4, v30;
	v61 =	vld [tilespmem:s19+$0x6450]  }
0x299: {  	v62 =	vor.u32 v6, v30;
	v28 =	vld [tilespmem:s21+$0x420]  }
0x29a: {  	v27 =	vld [tilespmem:s19+$0x450]  }
0x29b: {  	v30 =	vor.u32 v7, v30;
	v29 =	vld [tilespmem:s21+$0x6420]  }
0x29c: {  	[tilespmem:v31+s8+$0x0] =	vst.idx.add.f32.msk $0xffff, v25  }
0x29d: {  	v25 =	vshll.u32 v61, $0x7;
	[tilespmem:v60+s8+$0x0] =	vst.idx.add.f32.msk $0xffff, v15  }
0x29e: {  	s23 =	sadd.s32 $0x100, s23;
	s24 =	sadd.s32 $0x200, s24;
	s22 =	simm.s32 $0x2;
	v26 =	vor.u32 v0, v25;
	[tilespmem:v62+s8+$0x0] =	vst.idx.add.f32.msk $0xffff, v24  }
.LBB2_4:
0x29f: {  	s25 =	sadd.s32 $0xFFFFFF00, s24;
	s26 =	sand.u32 $0x3800, s24;
	s28 =	sand.u32 $0x380, s23  }
0x2a0: {  	s29 =	sadd.s32 s22, s2;
	s30 =	sadd.s32 $0xFFFFFF80, s23;
	s31 =	sor.u32 s28, s26;
	[tilespmem:v30+s8+$0x0] =	vst.idx.add.f32.msk $0xffff, v8  }
0x2a1: {  	s26 =	sadd.s32 $0x2, s29;
	s25 =	sand.u32 $0x3800, s25;
	s28 =	sand.u32 $0x300, s30;
	v30 =	vld [tilespmem:s31+$0x6000]  }
0x2a2: {  	v29 =	vshll.u32 v29, $0x7;
	s26 =	scvt.s32.f32 s26;
	s25 =	sor.u32 s28, s25;
	s28 =	sadd.s32 $0x3, s29;
	v31 =	vld [tilespmem:s20+$0x6400]  }
0x2a3: {  	s22 =	sadd.s32 $0x2, s22;
	v33 =	vor.u32 v0, v29;
	s29 =	scvt.s32.f32 s28;
	v32 =	vld [tilespmem:s25+$0x6000]  }
0x2a4: {  	p0 =	slt.u32 s22, $0x1A;
	s28 =	smul.f32 $4.484305160e-03, s26;
	[tilespmem:v26+s8+$0x0] =	vst.idx.add.f32.msk $0xffff, v27  }
0x2a5: {  	v34 =	vor.u32 v2, v25;
	s26 =	smul.f32 $4.484305160e-03, s29;
	v27 =	vld [tilespmem:s19+$0x2450]  }
0x2a6: {  	v30 =	vshll.u32 v30, $0x7;
	v35 =	vld [tilespmem:s20+$0x400]  }
0x2a7: {  	v36 =	vld [tilespmem:s31+$0x0];
	v37 =	vor.u32 v0, v30;
	v26 =	vshll.u32 v31, $0x7  }
0x2a8: {  	v31 =	vshll.u32 v32, $0x7;
	[tilespmem:v33+s8+$0x0] =	vst.idx.add.f32.msk $0xffff, v28  }
0x2a9: {  	v28 =	vld [tilespmem:s25+$0x0];
	v32 =	vor.u32 v0, v31  }
0x2aa: {  	[tilespmem:v34+s8+$0x0] =	vst.idx.add.f32.msk $0xffff, v27  }
0x2ab: {  	v33 =	vor.u32 v3, v25;
	v27 =	vld [tilespmem:s19+$0x4450];
	s19 =	smov.u32 s20;
	s20 =	smov.u32 s31  }
0x2ac: {  	v34 =	vor.u32 v4, v25;
	[tilespmem:v37+s8+$0x0] =	vst.idx.add.f32.msk $0xffff, v36  }
0x2ad: {  	v37 =	vor.u32 v6, v25;
	v36 =	vld [tilespmem:s20+$0x2000]  }
0x2ae: {  	v25 =	vor.u32 v7, v25;
	[tilespmem:v32+s8+$0x0] =	vst.idx.add.f32.msk $0xffff, v28  }
0x2af: {  	v32 =	vor.u32 v2, v30;
	v28 =	vld [tilespmem:s25+$0x2000]  }
0x2b0: {  	[tilespmem:v33+s8+$0x0] =	vst.idx.add.f32.msk $0xffff, v27  }
0x2b1: {  	v27 =	vor.u32 v2, v31;
	[tilespmem:v34+s8+$0x0] =	vst.idx.add.f32.msk $0xffff, v21  }
0x2b2: {  	[tilespmem:v37+s8+$0x0] =	vst.idx.add.f32.msk $0xffff, v22;
	v22 =	vmov v24  }
0x2b3: {  	v24 =	vor.u32 v0, v26;
	[tilespmem:v25+s8+$0x0] =	vst.idx.add.f32.msk $0xffff, v8  }
0x2b4: {  	[tilespmem:v32+s8+$0x0] =	vst.idx.add.f32.msk $0xffff, v36  }
0x2b5: {  	v32 =	vor.u32 v3, v30;
	v25 =	vld [tilespmem:s20+$0x4000]  }
0x2b6: {  	[tilespmem:v27+s8+$0x0] =	vst.idx.add.f32.msk $0xffff, v28;
	v27 =	vor.u32 v4, v30  }
0x2b7: {  	v33 =	vor.u32 v3, v31;
	v34 =	vor.u32 v6, v30;
	v28 =	vld [tilespmem:s25+$0x4000]  }
0x2b8: {  	v36 =	vor.u32 v4, v31;
	v30 =	vor.u32 v7, v30;
	[tilespmem:v24+s8+$0x0] =	vst.idx.add.f32.msk $0xffff, v35  }
0x2b9: {  	v24 =	vor.u32 v6, v31;
	v35 =	vld [tilespmem:s19+$0x2400]  }
0x2ba: {  	v31 =	vor.u32 v7, v31;
	[tilespmem:v32+s8+$0x0] =	vst.idx.add.f32.msk $0xffff, v25  }
0x2bb: {  	[tilespmem:v27+s8+$0x0] =	vst.idx.add.f32.msk $0xffff, v5  }
0x2bc: {  	[tilespmem:v33+s8+$0x0] =	vst.idx.add.f32.msk $0xffff, v28  }
0x2bd: {  	v25 =	vmov s28;
	[tilespmem:v36+s8+$0x0] =	vst.idx.add.f32.msk $0xffff, v5  }
0x2be: {  	[tilespmem:v24+s8+$0x0] =	vst.idx.add.f32.msk $0xffff, v25  }
0x2bf: {  	[tilespmem:v31+s8+$0x0] =	vst.idx.add.f32.msk $0xffff, v8  }
0x2c0: {  	v27 =	vld [tilespmem:s25+$0x6010]  }
0x2c1: {  	v28 =	vld [tilespmem:s21+$0x2420]  }
0x2c2: {  	v24 =	vmov s26;
	v31 =	vor.u32 v2, v29  }
0x2c3: {  	[tilespmem:v34+s8+$0x0] =	vst.idx.add.f32.msk $0xffff, v24  }
0x2c4: {  	[tilespmem:v30+s8+$0x0] =	vst.idx.add.f32.msk $0xffff, v8;
	v30 =	vor.u32 v2, v26  }
0x2c5: {  	v27 =	vshll.u32 v27, $0x7;
	v32 =	vld [tilespmem:s20+$0x6010]  }
0x2c6: {  	v33 =	vld [tilespmem:s25+$0x10];
	v34 =	vor.u32 v0, v27  }
0x2c7: {  	[tilespmem:v31+s8+$0x0] =	vst.idx.add.f32.msk $0xffff, v28  }
0x2c8: {  	v31 =	vor.u32 v3, v29;
	v28 =	vld [tilespmem:s21+$0x4420]  }
0x2c9: {  	v36 =	vor.u32 v4, v29;
	[tilespmem:v30+s8+$0x0] =	vst.idx.add.f32.msk $0xffff, v35  }
0x2ca: {  	v35 =	vor.u32 v6, v29;
	v30 =	vld [tilespmem:s20+$0x10]  }
0x2cb: {  	v29 =	vor.u32 v7, v29;
	[tilespmem:v34+s8+$0x0] =	vst.idx.add.f32.msk $0xffff, v33  }
0x2cc: {  	v34 =	vor.u32 v2, v27;
	v33 =	vld [tilespmem:s25+$0x2010]  }
0x2cd: {  	[tilespmem:v31+s8+$0x0] =	vst.idx.add.f32.msk $0xffff, v28  }
0x2ce: {  	v28 =	vshll.u32 v32, $0x7;
	[tilespmem:v36+s8+$0x0] =	vst.idx.add.f32.msk $0xffff, v18  }
0x2cf: {  	v31 =	vor.u32 v0, v28;
	[tilespmem:v35+s8+$0x0] =	vst.idx.add.f32.msk $0xffff, v23  }
0x2d0: {  	[tilespmem:v29+s8+$0x0] =	vst.idx.add.f32.msk $0xffff, v8  }
0x2d1: {  	[tilespmem:v34+s8+$0x0] =	vst.idx.add.f32.msk $0xffff, v33  }
0x2d2: {  	v32 =	vor.u32 v3, v27;
	v29 =	vld [tilespmem:s25+$0x4010]  }
0x2d3: {  	v33 =	vor.u32 v4, v27;
	v34 =	vld [tilespmem:s21+$0x6430]  }
0x2d4: {  	v35 =	vor.u32 v6, v27;
	[tilespmem:v31+s8+$0x0] =	vst.idx.add.f32.msk $0xffff, v30  }
0x2d5: {  	v27 =	vor.u32 v7, v27;
	v30 =	vld [tilespmem:s20+$0x2010]  }
0x2d6: {  	v31 =	vld [tilespmem:s21+$0x430]  }
0x2d7: {  	[tilespmem:v32+s8+$0x0] =	vst.idx.add.f32.msk $0xffff, v29;
	v29 =	vor.u32 v2, v28  }
0x2d8: {  	[tilespmem:v33+s8+$0x0] =	vst.idx.add.f32.msk $0xffff, v9;
	v32 =	vshll.u32 v34, $0x7  }
0x2d9: {  	[tilespmem:v35+s8+$0x0] =	vst.idx.add.f32.msk $0xffff, v25;
	v33 =	vor.u32 v0, v32  }
0x2da: {  	[tilespmem:v27+s8+$0x0] =	vst.idx.add.f32.msk $0xffff, v8  }
0x2db: {  	v27 =	vld [tilespmem:s25+$0x6020]  }
0x2dc: {  	[tilespmem:v29+s8+$0x0] =	vst.idx.add.f32.msk $0xffff, v30  }
0x2dd: {  	v30 =	vor.u32 v3, v28;
	v29 =	vld [tilespmem:s20+$0x4010]  }
0x2de: {  	v34 =	vor.u32 v4, v28;
	[tilespmem:v33+s8+$0x0] =	vst.idx.add.f32.msk $0xffff, v31  }
0x2df: {  	v33 =	vor.u32 v2, v32;
	v31 =	vld [tilespmem:s21+$0x2430]  }
0x2e0: {  	v27 =	vshll.u32 v27, $0x7;
	v35 =	vld [tilespmem:s19+$0x4400]  }
0x2e1: {  	v36 =	vld [tilespmem:s25+$0x20];
	v37 =	vor.u32 v0, v27;
	v38 =	vor.u32 v7, v27  }
0x2e2: {  	[tilespmem:v30+s8+$0x0] =	vst.idx.add.f32.msk $0xffff, v29  }
0x2e3: {  	v29 =	vor.u32 v6, v28;
	[tilespmem:v34+s8+$0x0] =	vst.idx.add.f32.msk $0xffff, v9  }
0x2e4: {  	v28 =	vor.u32 v7, v28;
	[tilespmem:v33+s8+$0x0] =	vst.idx.add.f32.msk $0xffff, v31  }
0x2e5: {  	v31 =	vor.u32 v3, v32;
	v30 =	vld [tilespmem:s21+$0x4430]  }
0x2e6: {  	v33 =	vor.u32 v4, v32;
	[tilespmem:v37+s8+$0x0] =	vst.idx.add.f32.msk $0xffff, v36  }
0x2e7: {  	v36 =	vor.u32 v2, v27;
	v34 =	vld [tilespmem:s25+$0x2020]  }
0x2e8: {  	[tilespmem:v29+s8+$0x0] =	vst.idx.add.f32.msk $0xffff, v24  }
0x2e9: {  	[tilespmem:v28+s8+$0x0] =	vst.idx.add.f32.msk $0xffff, v8;
	v28 =	vor.u32 v6, v32  }
0x2ea: {  	v29 =	vor.u32 v7, v32;
	[tilespmem:v31+s8+$0x0] =	vst.idx.add.f32.msk $0xffff, v30  }
0x2eb: {  	[tilespmem:v33+s8+$0x0] =	vst.idx.add.f32.msk $0xffff, v19  }
0x2ec: {  	[tilespmem:v36+s8+$0x0] =	vst.idx.add.f32.msk $0xffff, v34  }
0x2ed: {  	v31 =	vor.u32 v3, v27;
	v30 =	vld [tilespmem:s25+$0x4020]  }
0x2ee: {  	v32 =	vor.u32 v4, v27;
	[tilespmem:v28+s8+$0x0] =	vst.idx.add.f32.msk $0xffff, v23  }
0x2ef: {  	v27 =	vor.u32 v6, v27;
	[tilespmem:v29+s8+$0x0] =	vst.idx.add.f32.msk $0xffff, v8  }
0x2f0: {  	v28 =	vld [tilespmem:s21+$0x6440]  }
0x2f1: {  	v29 =	vld [tilespmem:s21+$0x440]  }
0x2f2: {  	[tilespmem:v31+s8+$0x0] =	vst.idx.add.f32.msk $0xffff, v30  }
0x2f3: {  	v30 =	vor.u32 v3, v26;
	[tilespmem:v32+s8+$0x0] =	vst.idx.add.f32.msk $0xffff, v10  }
0x2f4: {  	v31 =	vor.u32 v4, v26;
	[tilespmem:v27+s8+$0x0] =	vst.idx.add.f32.msk $0xffff, v25  }
0x2f5: {  	[tilespmem:v38+s8+$0x0] =	vst.idx.add.f32.msk $0xffff, v8;
	v27 =	vshll.u32 v28, $0x7;
	v28 =	vor.u32 v6, v26  }
0x2f6: {  	v32 =	vld [tilespmem:s25+$0x6030];
	v33 =	vor.u32 v0, v27  }
0x2f7: {  	v34 =	vld [tilespmem:s20+$0x6020]  }
0x2f8: {  	[tilespmem:v30+s8+$0x0] =	vst.idx.add.f32.msk $0xffff, v35  }
0x2f9: {  	v26 =	vor.u32 v7, v26;
	[tilespmem:v31+s8+$0x0] =	vst.idx.add.f32.msk $0xffff, v16  }
0x2fa: {  	[tilespmem:v28+s8+$0x0] =	vst.idx.add.f32.msk $0xffff, v22  }
0x2fb: {  	v28 =	vshll.u32 v32, $0x7;
	[tilespmem:v33+s8+$0x0] =	vst.idx.add.f32.msk $0xffff, v29  }
0x2fc: {  	v29 =	vld [tilespmem:s25+$0x30];
	v30 =	vor.u32 v0, v28  }
0x2fd: {  	v31 =	vld [tilespmem:s21+$0x2440]  }
0x2fe: {  	[tilespmem:v26+s8+$0x0] =	vst.idx.add.f32.msk $0xffff, v8  }
0x2ff: {  	v32 =	vor.u32 v2, v27;
	v26 =	vshll.u32 v34, $0x7;
	v33 =	vld [tilespmem:s19+$0x6410]  }
0x300: {  	v35 =	vor.u32 v0, v26;
	v34 =	vld [tilespmem:s20+$0x20]  }
0x301: {  	[tilespmem:v30+s8+$0x0] =	vst.idx.add.f32.msk $0xffff, v29  }
0x302: {  	v30 =	vor.u32 v2, v28;
	v29 =	vld [tilespmem:s25+$0x2030]  }
0x303: {  	v36 =	vld [tilespmem:s19+$0x410]  }
0x304: {  	[tilespmem:v32+s8+$0x0] =	vst.idx.add.f32.msk $0xffff, v31;
	v31 =	vshll.u32 v33, $0x7  }
0x305: {  	[tilespmem:v35+s8+$0x0] =	vst.idx.add.f32.msk $0xffff, v34  }
0x306: {  	v32 =	vld [tilespmem:s20+$0x2020]  }
0x307: {  	[tilespmem:v30+s8+$0x0] =	vst.idx.add.f32.msk $0xffff, v29  }
0x308: {  	v30 =	vor.u32 v3, v28;
	v29 =	vld [tilespmem:s25+$0x4030]  }
0x309: {  	v33 =	vor.u32 v4, v28;
	v34 =	vld [tilespmem:s21+$0x4440]  }
0x30a: {  	v35 =	vor.u32 v6, v28  }
0x30b: {  	v28 =	vor.u32 v7, v28;
	_ =	sdelay $0x1  }
0x30c: {  	[tilespmem:v30+s8+$0x0] =	vst.idx.add.f32.msk $0xffff, v29;
	v29 =	vor.u32 v2, v26  }
0x30d: {  	[tilespmem:v33+s8+$0x0] =	vst.idx.add.f32.msk $0xffff, v11  }
0x30e: {  	v30 =	vor.u32 v0, v31;
	[tilespmem:v35+s8+$0x0] =	vst.idx.add.f32.msk $0xffff, v25  }
0x30f: {  	[tilespmem:v28+s8+$0x0] =	vst.idx.add.f32.msk $0xffff, v8  }
0x310: {  	v33 =	vor.u32 v3, v27;
	v28 =	vld [tilespmem:s25+$0x6040]  }
0x311: {  	[tilespmem:v29+s8+$0x0] =	vst.idx.add.f32.msk $0xffff, v32  }
0x312: {  	v32 =	vor.u32 v3, v26;
	v29 =	vld [tilespmem:s20+$0x4020]  }
0x313: {  	v35 =	vor.u32 v4, v26;
	[tilespmem:v30+s8+$0x0] =	vst.idx.add.f32.msk $0xffff, v36  }
0x314: {  	v30 =	vor.u32 v6, v26;
	v36 =	vld [tilespmem:s19+$0x2410]  }
0x315: {  	v26 =	vor.u32 v7, v26;
	v28 =	vshll.u32 v28, $0x7;
	[tilespmem:v33+s8+$0x0] =	vst.idx.add.f32.msk $0xffff, v34  }
0x316: {  	v33 =	vld [tilespmem:s25+$0x40];
	v34 =	vor.u32 v0, v28  }
0x317: {  	[tilespmem:v32+s8+$0x0] =	vst.idx.add.f32.msk $0xffff, v29  }
0x318: {  	[tilespmem:v35+s8+$0x0] =	vst.idx.add.f32.msk $0xffff, v10  }
0x319: {  	v29 =	vor.u32 v2, v31;
	[tilespmem:v30+s8+$0x0] =	vst.idx.add.f32.msk $0xffff, v24  }
0x31a: {  	[tilespmem:v26+s8+$0x0] =	vst.idx.add.f32.msk $0xffff, v8  }
0x31b: {  	v26 =	vor.u32 v4, v27;
	[tilespmem:v34+s8+$0x0] =	vst.idx.add.f32.msk $0xffff, v33  }
0x31c: {  	v32 =	vor.u32 v2, v28;
	v30 =	vld [tilespmem:s25+$0x2040]  }
0x31d: {  	v33 =	vld [tilespmem:s20+$0x6030]  }
0x31e: {  	[tilespmem:v29+s8+$0x0] =	vst.idx.add.f32.msk $0xffff, v36  }
0x31f: {  	v34 =	vor.u32 v3, v31;
	v29 =	vld [tilespmem:s19+$0x4410]  }
0x320: {  	[tilespmem:v26+s8+$0x0] =	vst.idx.add.f32.msk $0xffff, v20;
	v26 =	vor.u32 v4, v31  }
0x321: {  	[tilespmem:v32+s8+$0x0] =	vst.idx.add.f32.msk $0xffff, v30;
	v30 =	vor.u32 v6, v31  }
0x322: {  	v35 =	vor.u32 v3, v28;
	v32 =	vld [tilespmem:s25+$0x4040]  }
0x323: {  	v36 =	vor.u32 v4, v28;
	v37 =	vld [tilespmem:s20+$0x30]  }
0x324: {  	v38 =	vor.u32 v6, v28;
	[tilespmem:v34+s8+$0x0] =	vst.idx.add.f32.msk $0xffff, v29  }
0x325: {  	v28 =	vor.u32 v7, v28;
	[tilespmem:v26+s8+$0x0] =	vst.idx.add.f32.msk $0xffff, v17  }
0x326: {  	v26 =	vshll.u32 v33, $0x7;
	[tilespmem:v30+s8+$0x0] =	vst.idx.add.f32.msk $0xffff, v22  }
0x327: {  	v29 =	vor.u32 v0, v26;
	[tilespmem:v35+s8+$0x0] =	vst.idx.add.f32.msk $0xffff, v32  }
0x328: {  	[tilespmem:v36+s8+$0x0] =	vst.idx.add.f32.msk $0xffff, v12  }
0x329: {  	v30 =	vor.u32 v7, v31;
	[tilespmem:v38+s8+$0x0] =	vst.idx.add.f32.msk $0xffff, v25  }
0x32a: {  	[tilespmem:v28+s8+$0x0] =	vst.idx.add.f32.msk $0xffff, v8  }
0x32b: {  	v28 =	vld [tilespmem:s25+$0x6050]  }
0x32c: {  	[tilespmem:v29+s8+$0x0] =	vst.idx.add.f32.msk $0xffff, v37  }
0x32d: {  	v31 =	vor.u32 v2, v26;
	v29 =	vld [tilespmem:s20+$0x2030]  }
0x32e: {  	[tilespmem:v30+s8+$0x0] =	vst.idx.add.f32.msk $0xffff, v8  }
0x32f: {  	v30 =	vor.u32 v6, v27;
	v32 =	vld [tilespmem:s19+$0x6420]  }
0x330: {  	v27 =	vor.u32 v7, v27;
	v28 =	vshll.u32 v28, $0x7;
	v33 =	vld [tilespmem:s19+$0x420]  }
0x331: {  	v34 =	vld [tilespmem:s25+$0x50];
	v35 =	vor.u32 v0, v28  }
0x332: {  	[tilespmem:v31+s8+$0x0] =	vst.idx.add.f32.msk $0xffff, v29  }
0x333: {  	v31 =	vor.u32 v3, v26;
	v29 =	vld [tilespmem:s20+$0x4030]  }
0x334: {  	v36 =	vor.u32 v4, v26;
	[tilespmem:v30+s8+$0x0] =	vst.idx.add.f32.msk $0xffff, v23;
	v30 =	vshll.u32 v32, $0x7  }
0x335: {  	v32 =	vor.u32 v6, v26;
	[tilespmem:v27+s8+$0x0] =	vst.idx.add.f32.msk $0xffff, v8  }
0x336: {  	v26 =	vor.u32 v7, v26;
	[tilespmem:v35+s8+$0x0] =	vst.idx.add.f32.msk $0xffff, v34  }
0x337: {  	v34 =	vor.u32 v2, v28;
	v27 =	vld [tilespmem:s25+$0x2050]  }
0x338: {  	[tilespmem:v31+s8+$0x0] =	vst.idx.add.f32.msk $0xffff, v29  }
0x339: {  	[tilespmem:v36+s8+$0x0] =	vst.idx.add.f32.msk $0xffff, v11  }
0x33a: {  	v29 =	vor.u32 v0, v30;
	[tilespmem:v32+s8+$0x0] =	vst.idx.add.f32.msk $0xffff, v24  }
0x33b: {  	[tilespmem:v26+s8+$0x0] =	vst.idx.add.f32.msk $0xffff, v8  }
0x33c: {  	[tilespmem:v34+s8+$0x0] =	vst.idx.add.f32.msk $0xffff, v27  }
0x33d: {  	v27 =	vor.u32 v3, v28;
	v26 =	vld [tilespmem:s25+$0x4050]  }
0x33e: {  	v31 =	vor.u32 v4, v28;
	v32 =	vld [tilespmem:s20+$0x6040]  }
0x33f: {  	v34 =	vor.u32 v6, v28;
	[tilespmem:v29+s8+$0x0] =	vst.idx.add.f32.msk $0xffff, v33  }
0x340: {  	v28 =	vor.u32 v7, v28;
	v29 =	vld [tilespmem:s19+$0x2420]  }
0x341: {  	v33 =	vld [tilespmem:s20+$0x40]  }
0x342: {  	[tilespmem:v27+s8+$0x0] =	vst.idx.add.f32.msk $0xffff, v26  }
0x343: {  	v27 =	vor.u32 v2, v30;
	[tilespmem:v31+s8+$0x0] =	vst.idx.add.f32.msk $0xffff, v13;
	v26 =	vshll.u32 v32, $0x7  }
0x344: {  	[tilespmem:v34+s8+$0x0] =	vst.idx.add.f32.msk $0xffff, v25;
	v31 =	vor.u32 v0, v26  }
0x345: {  	[tilespmem:v28+s8+$0x0] =	vst.idx.add.f32.msk $0xffff, v8  }
0x346: {  	v28 =	vld [tilespmem:s25+$0x6060]  }
0x347: {  	v32 =	vld [tilespmem:s25+$0x60]  }
0x348: {  	[tilespmem:v27+s8+$0x0] =	vst.idx.add.f32.msk $0xffff, v29  }
0x349: {  	[tilespmem:v31+s8+$0x0] =	vst.idx.add.f32.msk $0xffff, v33  }
0x34a: {  	v29 =	vor.u32 v2, v26;
	v27 =	vld [tilespmem:s20+$0x2040]  }
0x34b: {  	v28 =	vshll.u32 v28, $0x7;
	v31 =	vld [tilespmem:s19+$0x4420]  }
0x34c: {  	v33 =	vor.u32 v0, v28;
	v34 =	vld [tilespmem:s21+$0x6450]  }
0x34d: {  	v35 =	vld [tilespmem:s21+$0x450]  }
0x34e: {  	v36 =	vor.u32 v3, v30  }
0x34f: {  	[tilespmem:v29+s8+$0x0] =	vst.idx.add.f32.msk $0xffff, v27;
	v27 =	vor.u32 v4, v30  }
0x350: {  	v37 =	vor.u32 v3, v26;
	v29 =	vld [tilespmem:s20+$0x4040]  }
0x351: {  	[tilespmem:v33+s8+$0x0] =	vst.idx.add.f32.msk $0xffff, v32;
	v32 =	vor.u32 v4, v26  }
0x352: {  	v38 =	vor.u32 v2, v28;
	v33 =	vld [tilespmem:s25+$0x2060]  }
0x353: {  	[tilespmem:v36+s8+$0x0] =	vst.idx.add.f32.msk $0xffff, v31  }
0x354: {  	v31 =	vor.u32 v6, v26;
	[tilespmem:v27+s8+$0x0] =	vst.idx.add.f32.msk $0xffff, v18  }
0x355: {  	v26 =	vor.u32 v7, v26;
	[tilespmem:v37+s8+$0x0] =	vst.idx.add.f32.msk $0xffff, v29  }
0x356: {  	[tilespmem:v32+s8+$0x0] =	vst.idx.add.f32.msk $0xffff, v12  }
0x357: {  	[tilespmem:v38+s8+$0x0] =	vst.idx.add.f32.msk $0xffff, v33  }
0x358: {  	v29 =	vor.u32 v3, v28;
	v27 =	vld [tilespmem:s25+$0x4060]  }
0x359: {  	v32 =	vor.u32 v4, v28;
	[tilespmem:v31+s8+$0x0] =	vst.idx.add.f32.msk $0xffff, v24  }
0x35a: {  	v31 =	vor.u32 v6, v28;
	[tilespmem:v26+s8+$0x0] =	vst.idx.add.f32.msk $0xffff, v8  }
0x35b: {  	v26 =	vor.u32 v7, v28;
	v28 =	vld [tilespmem:s20+$0x6050]  }
0x35c: {  	v33 =	vld [tilespmem:s20+$0x50]  }
0x35d: {  	[tilespmem:v29+s8+$0x0] =	vst.idx.add.f32.msk $0xffff, v27  }
0x35e: {  	v27 =	vor.u32 v6, v30;
	[tilespmem:v32+s8+$0x0] =	vst.idx.add.f32.msk $0xffff, v14  }
0x35f: {  	v29 =	vor.u32 v7, v30;
	[tilespmem:v31+s8+$0x0] =	vst.idx.add.f32.msk $0xffff, v25  }
0x360: {  	[tilespmem:v26+s8+$0x0] =	vst.idx.add.f32.msk $0xffff, v8;
	v28 =	vshll.u32 v28, $0x7  }
0x361: {  	v30 =	vld [tilespmem:s25+$0x6070];
	v31 =	vor.u32 v0, v28  }
0x362: {  	v32 =	vld [tilespmem:s25+$0x70]  }
0x363: {  	v26 =	vshll.u32 v34, $0x7;
	[tilespmem:v27+s8+$0x0] =	vst.idx.add.f32.msk $0xffff, v22  }
0x364: {  	v27 =	vor.u32 v0, v26;
	[tilespmem:v29+s8+$0x0] =	vst.idx.add.f32.msk $0xffff, v8  }
0x365: {  	v29 =	vld [tilespmem:s19+$0x6430]  }
0x366: {  	v30 =	vshll.u32 v30, $0x7;
	[tilespmem:v31+s8+$0x0] =	vst.idx.add.f32.msk $0xffff, v33  }
0x367: {  	v31 =	vor.u32 v0, v30;
	v33 =	vld [tilespmem:s20+$0x2050]  }
0x368: {  	v34 =	vld [tilespmem:s19+$0x430]  }
0x369: {  	v36 =	vor.u32 v2, v28;
	[tilespmem:v27+s8+$0x0] =	vst.idx.add.f32.msk $0xffff, v35  }
0x36a: {  	v27 =	vld [tilespmem:s21+$0x2450];
	v29 =	vshll.u32 v29, $0x7  }
0x36b: {  	v35 =	vor.u32 v0, v29  }
0x36c: {  	[tilespmem:v31+s8+$0x0] =	vst.idx.add.f32.msk $0xffff, v32  }
0x36d: {  	v32 =	vor.u32 v2, v30;
	v31 =	vld [tilespmem:s25+$0x2070]  }
0x36e: {  	[tilespmem:v36+s8+$0x0] =	vst.idx.add.f32.msk $0xffff, v33  }
0x36f: {  	v36 =	vor.u32 v3, v28;
	v33 =	vld [tilespmem:s20+$0x4050]  }
0x370: {  	v37 =	vor.u32 v4, v28;
	[tilespmem:v35+s8+$0x0] =	vst.idx.add.f32.msk $0xffff, v34  }
0x371: {  	v34 =	vor.u32 v6, v28;
	v35 =	vld [tilespmem:s19+$0x2430]  }
0x372: {  	v28 =	vor.u32 v7, v28;
	[tilespmem:v32+s8+$0x0] =	vst.idx.add.f32.msk $0xffff, v31  }
0x373: {  	v32 =	vor.u32 v3, v30;
	v31 =	vld [tilespmem:s25+$0x4070]  }
0x374: {  	v38 =	vor.u32 v4, v30;
	[tilespmem:v36+s8+$0x0] =	vst.idx.add.f32.msk $0xffff, v33  }
0x375: {  	v33 =	vor.u32 v6, v30;
	[tilespmem:v37+s8+$0x0] =	vst.idx.add.f32.msk $0xffff, v13  }
0x376: {  	v30 =	vor.u32 v7, v30;
	[tilespmem:v34+s8+$0x0] =	vst.idx.add.f32.msk $0xffff, v24  }
0x377: {  	[tilespmem:v28+s8+$0x0] =	vst.idx.add.f32.msk $0xffff, v8  }
0x378: {  	v28 =	vor.u32 v2, v29;
	[tilespmem:v32+s8+$0x0] =	vst.idx.add.f32.msk $0xffff, v31  }
0x379: {  	[tilespmem:v38+s8+$0x0] =	vst.idx.add.f32.msk $0xffff, v15  }
0x37a: {  	[tilespmem:v33+s8+$0x0] =	vst.idx.add.f32.msk $0xffff, v25  }
0x37b: {  	[tilespmem:v30+s8+$0x0] =	vst.idx.add.f32.msk $0xffff, v8  }
0x37c: {  	v30 =	vld [tilespmem:s25+$0x6400]  }
0x37d: {  	v31 =	vor.u32 v2, v26;
	[tilespmem:v28+s8+$0x0] =	vst.idx.add.f32.msk $0xffff, v35  }
0x37e: {  	v28 =	vld [tilespmem:s20+$0x6060]  }
0x37f: {  	v32 =	vld [tilespmem:s20+$0x60]  }
0x380: {  	v34 =	vor.u32 v3, v29;
	v33 =	vld [tilespmem:s19+$0x4430]  }
0x381: {  	v36 =	vor.u32 v4, v29;
	v35 =	vld [tilespmem:s25+$0x400];
	v30 =	vshll.u32 v30, $0x7  }
0x382: {  	v37 =	vor.u32 v0, v30;
	[tilespmem:v31+s8+$0x0] =	vst.idx.add.f32.msk $0xffff, v27  }
0x383: {  	v31 =	vor.u32 v7, v29;
	v27 =	vshll.u32 v28, $0x7;
	v28 =	vld [tilespmem:s21+$0x4450];
	s21 =	smov.u32 s25  }
0x384: {  	v38 =	vor.u32 v0, v27  }
0x385: {  	v29 =	vor.u32 v6, v29;
	[tilespmem:v34+s8+$0x0] =	vst.idx.add.f32.msk $0xffff, v33  }
0x386: {  	[tilespmem:v36+s8+$0x0] =	vst.idx.add.f32.msk $0xffff, v19  }
0x387: {  	[tilespmem:v37+s8+$0x0] =	vst.idx.add.f32.msk $0xffff, v35  }
0x388: {  	v34 =	vor.u32 v2, v30;
	v33 =	vld [tilespmem:s21+$0x2400]  }
0x389: {  	[tilespmem:v38+s8+$0x0] =	vst.idx.add.f32.msk $0xffff, v32  }
0x38a: {  	v35 =	vor.u32 v2, v27;
	v32 =	vld [tilespmem:s20+$0x2060]  }
0x38b: {  	[tilespmem:v29+s8+$0x0] =	vst.idx.add.f32.msk $0xffff, v22  }
0x38c: {  	[tilespmem:v31+s8+$0x0] =	vst.idx.add.f32.msk $0xffff, v8  }
0x38d: {  	[tilespmem:v34+s8+$0x0] =	vst.idx.add.f32.msk $0xffff, v33  }
0x38e: {  	v31 =	vor.u32 v3, v30;
	v29 =	vld [tilespmem:s21+$0x4400]  }
0x38f: {  	v33 =	vor.u32 v4, v30;
	[tilespmem:v35+s8+$0x0] =	vst.idx.add.f32.msk $0xffff, v32  }
0x390: {  	v32 =	vor.u32 v6, v30;
	v34 =	vld [tilespmem:s19+$0x6440]  }
0x391: {  	v30 =	vor.u32 v7, v30;
	v35 =	vld [tilespmem:s19+$0x440]  }
0x392: {  	v36 =	vld [tilespmem:s20+$0x4060]  }
0x393: {  	[tilespmem:v31+s8+$0x0] =	vst.idx.add.f32.msk $0xffff, v29  }
0x394: {  	v29 =	vor.u32 v3, v27;
	[tilespmem:v33+s8+$0x0] =	vst.idx.add.f32.msk $0xffff, v16  }
0x395: {  	v31 =	vor.u32 v4, v27;
	[tilespmem:v32+s8+$0x0] =	vst.idx.add.f32.msk $0xffff, v25;
	v32 =	vshll.u32 v34, $0x7  }
0x396: {  	[tilespmem:v30+s8+$0x0] =	vst.idx.add.f32.msk $0xffff, v8;
	v30 =	vor.u32 v6, v27;
	v33 =	vor.u32 v0, v32  }
0x397: {  	v27 =	vor.u32 v7, v27;
	v34 =	vld [tilespmem:s21+$0x6410]  }
0x398: {  	v37 =	vld [tilespmem:s21+$0x410]  }
0x399: {  	[tilespmem:v29+s8+$0x0] =	vst.idx.add.f32.msk $0xffff, v36  }
0x39a: {  	[tilespmem:v31+s8+$0x0] =	vst.idx.add.f32.msk $0xffff, v14  }
0x39b: {  	[tilespmem:v30+s8+$0x0] =	vst.idx.add.f32.msk $0xffff, v24  }
0x39c: {  	v30 =	vor.u32 v2, v32;
	v29 =	vshll.u32 v34, $0x7;
	[tilespmem:v27+s8+$0x0] =	vst.idx.add.f32.msk $0xffff, v8;
	v27 =	vor.u32 v3, v26  }
0x39d: {  	v31 =	vor.u32 v0, v29;
	v34 =	vld [tilespmem:s20+$0x6070]  }
0x39e: {  	[tilespmem:v33+s8+$0x0] =	vst.idx.add.f32.msk $0xffff, v35  }
0x39f: {  	v33 =	vld [tilespmem:s19+$0x2440]  }
0x3a0: {  	v35 =	vld [tilespmem:s20+$0x70]  }
0x3a1: {  	[tilespmem:v27+s8+$0x0] =	vst.idx.add.f32.msk $0xffff, v28;
	v27 =	vor.u32 v4, v26  }
0x3a2: {  	v28 =	vor.u32 v6, v26;
	[tilespmem:v31+s8+$0x0] =	vst.idx.add.f32.msk $0xffff, v37;
	v31 =	vshll.u32 v34, $0x7  }
0x3a3: {  	v36 =	vor.u32 v2, v29;
	v34 =	vld [tilespmem:s21+$0x2410]  }
0x3a4: {  	[tilespmem:v30+s8+$0x0] =	vst.idx.add.f32.msk $0xffff, v33  }
0x3a5: {  	v30 =	vor.u32 v0, v31;
	v33 =	vld [tilespmem:s19+$0x4440]  }
0x3a6: {  	[tilespmem:v27+s8+$0x0] =	vst.idx.add.f32.msk $0xffff, v21  }
0x3a7: {  	v27 =	vor.u32 v3, v32;
	[tilespmem:v28+s8+$0x0] =	vst.idx.add.f32.msk $0xffff, v23;
	v23 =	vmov v25  }
0x3a8: {  	v25 =	vor.u32 v4, v32;
	[tilespmem:v36+s8+$0x0] =	vst.idx.add.f32.msk $0xffff, v34  }
0x3a9: {  	v34 =	vor.u32 v3, v29;
	v28 =	vld [tilespmem:s21+$0x4410]  }
0x3aa: {  	v36 =	vor.u32 v4, v29;
	[tilespmem:v30+s8+$0x0] =	vst.idx.add.f32.msk $0xffff, v35  }
0x3ab: {  	v30 =	vor.u32 v6, v29;
	v35 =	vld [tilespmem:s20+$0x2070]  }
0x3ac: {  	v29 =	vor.u32 v7, v29;
	[tilespmem:v27+s8+$0x0] =	vst.idx.add.f32.msk $0xffff, v33  }
0x3ad: {  	[tilespmem:v25+s8+$0x0] =	vst.idx.add.f32.msk $0xffff, v20;
	v25 =	vor.u32 v6, v32  }
0x3ae: {  	v27 =	vor.u32 v7, v32;
	[tilespmem:v34+s8+$0x0] =	vst.idx.add.f32.msk $0xffff, v28  }
0x3af: {  	v28 =	vor.u32 v2, v31;
	[tilespmem:v36+s8+$0x0] =	vst.idx.add.f32.msk $0xffff, v17  }
0x3b0: {  	[tilespmem:v30+s8+$0x0] =	vst.idx.add.f32.msk $0xffff, v23  }
0x3b1: {  	[tilespmem:v29+s8+$0x0] =	vst.idx.add.f32.msk $0xffff, v8  }
0x3b2: {  	[tilespmem:v25+s8+$0x0] =	vst.idx.add.f32.msk $0xffff, v22  }
0x3b3: {  	[tilespmem:v27+s8+$0x0] =	vst.idx.add.f32.msk $0xffff, v8  }
0x3b4: {  	[tilespmem:v28+s8+$0x0] =	vst.idx.add.f32.msk $0xffff, v35  }
0x3b5: {  	v30 =	vor.u32 v3, v31;
	v25 =	vld [tilespmem:s20+$0x4070]  }
0x3b6: {  	v32 =	vor.u32 v4, v31;
	v33 =	vld [tilespmem:s19+$0x6450]  }
0x3b7: {  	v34 =	vor.u32 v6, v31;
	v27 =	vld [tilespmem:s19+$0x450]  }
0x3b8: {  	v35 =	vor.u32 v7, v26;
	v29 =	vld [tilespmem:s21+$0x6420]  }
.Ltmp1:
0x3b9: {  	v28 =	vld [tilespmem:s21+$0x420];
	(pc) =	sbr.rel @p0 .LBB2_4-.Ltmp1, $4  }
0x3ba: {  	[tilespmem:v30+s8+$0x0] =	vst.idx.add.f32.msk $0xffff, v25;
	v30 =	vor.u32 v7, v31  }
0x3bb: {  	[tilespmem:v32+s8+$0x0] =	vst.idx.add.f32.msk $0xffff, v15;
	v25 =	vshll.u32 v33, $0x7  }
0x3bc: {  	[tilespmem:v34+s8+$0x0] =	vst.idx.add.f32.msk $0xffff, v24;
	v26 =	vor.u32 v0, v25  }
0x3bd: {  	s23 =	sadd.s32 $0x100, s23;
	s24 =	sadd.s32 $0x200, s24;
	[tilespmem:v35+s8+$0x0] =	vst.idx.add.f32.msk $0xffff, v8  }
0x3be: {  	_ =	sdelay $0x3  }
0x3bf: {  	[tilespmem:v30+s8+$0x0] =	vst.idx.add.f32.msk $0xffff, v8  }
0x3c0: {  	v30 =	vld [tilespmem:s20+$0x6400];
	_ =	sdelay $0x4  }
0x3c1: {  	v30 =	vshll.u32 v30, $0x7  }
0x3c2: {  	v31 =	vld [tilespmem:s20+$0x400];
	v32 =	vor.u32 v0, v30;
	_ =	sdelay $0x4  }
0x3c3: {  	[tilespmem:v32+s8+$0x0] =	vst.idx.add.f32.msk $0xffff, v31  }
0x3c4: {  	v62 =	vor.u32 v2, v30;
	v31 =	vld [tilespmem:s20+$0x2400];
	_ =	sdelay $0x4  }
0x3c5: {  	[tilespmem:v62+s8+$0x0] =	vst.idx.add.f32.msk $0xffff, v31  }
0x3c6: {  	v63 =	vor.u32 v3, v30;
	v31 =	vld [tilespmem:s20+$0x4400]  }
0x3c7: {  	v33 =	vor.u32 v4, v30  }
0x3c8: {  	v34 =	vor.u32 v6, v30  }
0x3c9: {  	v30 =	vor.u32 v7, v30;
	_ =	sdelay $0x1  }
0x3ca: {  	[tilespmem:v63+s8+$0x0] =	vst.idx.add.f32.msk $0xffff, v31  }
0x3cb: {  	[tilespmem:v33+s8+$0x0] =	vst.idx.add.f32.msk $0xffff, v16  }
0x3cc: {  	[tilespmem:v34+s8+$0x0] =	vst.idx.add.f32.msk $0xffff, v24  }
0x3cd: {  	[tilespmem:v30+s8+$0x0] =	vst.idx.add.f32.msk $0xffff, v8  }
0x3ce: {  	v30 =	vld [tilespmem:s20+$0x6410];
	_ =	sdelay $0x4  }
0x3cf: {  	v30 =	vshll.u32 v30, $0x7  }
0x3d0: {  	v31 =	vld [tilespmem:s20+$0x410];
	v36 =	vor.u32 v0, v30;
	_ =	sdelay $0x4  }
0x3d1: {  	[tilespmem:v36+s8+$0x0] =	vst.idx.add.f32.msk $0xffff, v31  }
0x3d2: {  	v37 =	vor.u32 v2, v30;
	v31 =	vld [tilespmem:s20+$0x2410];
	_ =	sdelay $0x2  }
0x3d3: {  	v29 =	vshll.u32 v29, $0x7  }
0x3d4: {  	v38 =	vor.u32 v0, v29  }
0x3d5: {  	[tilespmem:v37+s8+$0x0] =	vst.idx.add.f32.msk $0xffff, v31  }
0x3d6: {  	v39 =	vor.u32 v3, v30;
	v31 =	vld [tilespmem:s20+$0x4410]  }
0x3d7: {  	v40 =	vor.u32 v4, v30  }
0x3d8: {  	v35 =	vor.u32 v6, v30  }
0x3d9: {  	[tilespmem:v38+s8+$0x0] =	vst.idx.add.f32.msk $0xffff, v28;
	v41 =	vor.u32 v7, v30  }
0x3da: {  	v42 =	vld [tilespmem:s21+$0x2420]  }
0x3db: {  	[tilespmem:v39+s8+$0x0] =	vst.idx.add.f32.msk $0xffff, v31  }
0x3dc: {  	[tilespmem:v40+s8+$0x0] =	vst.idx.add.f32.msk $0xffff, v17  }
0x3dd: {  	[tilespmem:v35+s8+$0x0] =	vst.idx.add.f32.msk $0xffff, v24  }
0x3de: {  	v43 =	vor.u32 v2, v29;
	[tilespmem:v41+s8+$0x0] =	vst.idx.add.f32.msk $0xffff, v8  }
0x3df: {  	v28 =	vld [tilespmem:s20+$0x6420];
	_ =	sdelay $0x3  }
0x3e0: {  	[tilespmem:v43+s8+$0x0] =	vst.idx.add.f32.msk $0xffff, v42  }
0x3e1: {  	v44 =	vor.u32 v3, v29;
	v30 =	vld [tilespmem:s21+$0x4420];
	v28 =	vshll.u32 v28, $0x7  }
0x3e2: {  	v32 =	vld [tilespmem:s20+$0x420];
	v45 =	vor.u32 v0, v28;
	_ =	sdelay $0x1  }
0x3e3: {  	v46 =	vor.u32 v4, v29  }
0x3e4: {  	v47 =	vor.u32 v6, v29  }
0x3e5: {  	v29 =	vor.u32 v7, v29;
	[tilespmem:v44+s8+$0x0] =	vst.idx.add.f32.msk $0xffff, v30  }
0x3e6: {  	[tilespmem:v45+s8+$0x0] =	vst.idx.add.f32.msk $0xffff, v32  }
0x3e7: {  	v49 =	vor.u32 v2, v28;
	v48 =	vld [tilespmem:s20+$0x2420]  }
0x3e8: {  	[tilespmem:v46+s8+$0x0] =	vst.idx.add.f32.msk $0xffff, v18  }
0x3e9: {  	[tilespmem:v47+s8+$0x0] =	vst.idx.add.f32.msk $0xffff, v23  }
0x3ea: {  	[tilespmem:v29+s8+$0x0] =	vst.idx.add.f32.msk $0xffff, v8  }
0x3eb: {  	v29 =	vld [tilespmem:s21+$0x6430]  }
0x3ec: {  	[tilespmem:v49+s8+$0x0] =	vst.idx.add.f32.msk $0xffff, v48  }
0x3ed: {  	v50 =	vor.u32 v3, v28;
	v30 =	vld [tilespmem:s20+$0x4420]  }
0x3ee: {  	v51 =	vor.u32 v4, v28  }
0x3ef: {  	v52 =	vor.u32 v6, v28  }
0x3f0: {  	v28 =	vor.u32 v7, v28  }
0x3f1: {  	v34 =	vld [tilespmem:s21+$0x430];
	v29 =	vshll.u32 v29, $0x7  }
0x3f2: {  	v53 =	vor.u32 v0, v29;
	[tilespmem:v50+s8+$0x0] =	vst.idx.add.f32.msk $0xffff, v30  }
0x3f3: {  	[tilespmem:v51+s8+$0x0] =	vst.idx.add.f32.msk $0xffff, v18  }
0x3f4: {  	[tilespmem:v52+s8+$0x0] =	vst.idx.add.f32.msk $0xffff, v24  }
0x3f5: {  	[tilespmem:v28+s8+$0x0] =	vst.idx.add.f32.msk $0xffff, v8  }
0x3f6: {  	v28 =	vld [tilespmem:s20+$0x6430]  }
0x3f7: {  	[tilespmem:v53+s8+$0x0] =	vst.idx.add.f32.msk $0xffff, v34  }
0x3f8: {  	v55 =	vor.u32 v2, v29;
	v54 =	vld [tilespmem:s21+$0x2430];
	_ =	sdelay $0x2  }
0x3f9: {  	v28 =	vshll.u32 v28, $0x7  }
0x3fa: {  	v32 =	vld [tilespmem:s20+$0x430];
	v56 =	vor.u32 v0, v28  }
0x3fb: {  	[tilespmem:v55+s8+$0x0] =	vst.idx.add.f32.msk $0xffff, v54  }
0x3fc: {  	v57 =	vor.u32 v3, v29;
	v30 =	vld [tilespmem:s21+$0x4430]  }
0x3fd: {  	v58 =	vor.u32 v4, v29  }
0x3fe: {  	v59 =	vor.u32 v6, v29  }
0x3ff: {  	v29 =	vor.u32 v7, v29;
	[tilespmem:v56+s8+$0x0] =	vst.idx.add.f32.msk $0xffff, v32  }
0x400: {  	v60 =	vor.u32 v2, v28;
	v32 =	vld [tilespmem:s20+$0x2430]  }
0x401: {  	[tilespmem:v57+s8+$0x0] =	vst.idx.add.f32.msk $0xffff, v30  }
0x402: {  	[tilespmem:v58+s8+$0x0] =	vst.idx.add.f32.msk $0xffff, v19  }
0x403: {  	[tilespmem:v59+s8+$0x0] =	vst.idx.add.f32.msk $0xffff, v23  }
0x404: {  	[tilespmem:v29+s8+$0x0] =	vst.idx.add.f32.msk $0xffff, v8  }
0x405: {  	[tilespmem:v60+s8+$0x0] =	vst.idx.add.f32.msk $0xffff, v32  }
0x406: {  	v62 =	vor.u32 v3, v28;
	v61 =	vld [tilespmem:s20+$0x4430]  }
0x407: {  	v31 =	vld [tilespmem:s21+$0x6440];
	v63 =	vor.u32 v4, v28  }
0x408: {  	v36 =	vor.u32 v6, v28  }
0x409: {  	v28 =	vor.u32 v7, v28  }
0x40a: {  	v34 =	vld [tilespmem:s21+$0x440]  }
0x40b: {  	[tilespmem:v62+s8+$0x0] =	vst.idx.add.f32.msk $0xffff, v61  }
0x40c: {  	v37 =	vshll.u32 v31, $0x7;
	[tilespmem:v63+s8+$0x0] =	vst.idx.add.f32.msk $0xffff, v19  }
0x40d: {  	v38 =	vor.u32 v0, v37;
	[tilespmem:v36+s8+$0x0] =	vst.idx.add.f32.msk $0xffff, v24  }
0x40e: {  	[tilespmem:v28+s8+$0x0] =	vst.idx.add.f32.msk $0xffff, v8  }
0x40f: {  	v28 =	vld [tilespmem:s20+$0x6440];
	_ =	sdelay $0x2  }
0x410: {  	[tilespmem:v38+s8+$0x0] =	vst.idx.add.f32.msk $0xffff, v34  }
0x411: {  	v31 =	vor.u32 v2, v37;
	v30 =	vld [tilespmem:s21+$0x2440]  }
0x412: {  	v28 =	vshll.u32 v28, $0x7  }
0x413: {  	v32 =	vld [tilespmem:s20+$0x440];
	v39 =	vor.u32 v0, v28;
	_ =	sdelay $0x2  }
0x414: {  	[tilespmem:v31+s8+$0x0] =	vst.idx.add.f32.msk $0xffff, v30  }
0x415: {  	v30 =	vld [tilespmem:s21+$0x4440]  }
0x416: {  	v40 =	vor.u32 v3, v37;
	[tilespmem:v39+s8+$0x0] =	vst.idx.add.f32.msk $0xffff, v32  }
0x417: {  	v41 =	vor.u32 v2, v28;
	v33 =	vld [tilespmem:s20+$0x2440];
	_ =	sdelay $0x1  }
0x418: {  	[tilespmem:v26+s8+$0x0] =	vst.idx.add.f32.msk $0xffff, v27;
	v42 =	vor.u32 v4, v37  }
0x419: {  	v27 =	vld [tilespmem:s19+$0x2450];
	v43 =	vor.u32 v6, v37  }
0x41a: {  	v29 =	vor.u32 v7, v37;
	[tilespmem:v40+s8+$0x0] =	vst.idx.add.f32.msk $0xffff, v30  }
0x41b: {  	[tilespmem:v41+s8+$0x0] =	vst.idx.add.f32.msk $0xffff, v33  }
0x41c: {  	v45 =	vor.u32 v3, v28;
	v44 =	vld [tilespmem:s20+$0x4440]  }
0x41d: {  	[tilespmem:v42+s8+$0x0] =	vst.idx.add.f32.msk $0xffff, v20;
	v46 =	vor.u32 v4, v28  }
0x41e: {  	[tilespmem:v43+s8+$0x0] =	vst.idx.add.f32.msk $0xffff, v23;
	v47 =	vor.u32 v6, v28  }
0x41f: {  	[tilespmem:v29+s8+$0x0] =	vst.idx.add.f32.msk $0xffff, v8;
	v28 =	vor.u32 v7, v28  }
0x420: {  	v29 =	vld [tilespmem:s21+$0x6450]  }
0x421: {  	[tilespmem:v45+s8+$0x0] =	vst.idx.add.f32.msk $0xffff, v44  }
0x422: {  	[tilespmem:v46+s8+$0x0] =	vst.idx.add.f32.msk $0xffff, v20  }
0x423: {  	v48 =	vor.u32 v2, v25;
	[tilespmem:v47+s8+$0x0] =	vst.idx.add.f32.msk $0xffff, v24  }
0x424: {  	[tilespmem:v28+s8+$0x0] =	vst.idx.add.f32.msk $0xffff, v8  }
0x425: {  	v28 =	vld [tilespmem:s20+$0x6450]  }
0x426: {  	v29 =	vshll.u32 v29, $0x7  }
0x427: {  	v49 =	vld [tilespmem:s21+$0x450];
	v50 =	vor.u32 v0, v29  }
0x428: {  	[tilespmem:v48+s8+$0x0] =	vst.idx.add.f32.msk $0xffff, v27  }
0x429: {  	v26 =	vld [tilespmem:s19+$0x4450];
	v51 =	vor.u32 v3, v25  }
0x42a: {  	v52 =	vor.u32 v4, v25;
	v28 =	vshll.u32 v28, $0x7  }
0x42b: {  	v33 =	vld [tilespmem:s20+$0x450];
	v53 =	vor.u32 v0, v28  }
0x42c: {  	[tilespmem:v50+s8+$0x0] =	vst.idx.add.f32.msk $0xffff, v49  }
0x42d: {  	v54 =	vor.u32 v2, v29;
	v30 =	vld [tilespmem:s21+$0x2450]  }
0x42e: {  	[tilespmem:v51+s8+$0x0] =	vst.idx.add.f32.msk $0xffff, v26  }
0x42f: {  	v55 =	vor.u32 v6, v25;
	[tilespmem:v52+s8+$0x0] =	vst.idx.add.f32.msk $0xffff, v21  }
0x430: {  	v56 =	vor.u32 v7, v25;
	[tilespmem:v53+s8+$0x0] =	vst.idx.add.f32.msk $0xffff, v33  }
0x431: {  	v58 =	vor.u32 v2, v28;
	v57 =	vld [tilespmem:s20+$0x2450]  }
0x432: {  	[tilespmem:v54+s8+$0x0] =	vst.idx.add.f32.msk $0xffff, v30  }
0x433: {  	v59 =	vor.u32 v3, v29;
	v30 =	vld [tilespmem:s21+$0x4450]  }
0x434: {  	[tilespmem:v55+s8+$0x0] =	vst.idx.add.f32.msk $0xffff, v22;
	v22 =	vor.u32 v4, v29  }
0x435: {  	[tilespmem:v56+s8+$0x0] =	vst.idx.add.f32.msk $0xffff, v8;
	v60 =	vor.u32 v6, v29  }
0x436: {  	v61 =	vor.u32 v7, v29;
	[tilespmem:v58+s8+$0x0] =	vst.idx.add.f32.msk $0xffff, v57  }
0x437: {  	v62 =	vor.u32 v3, v28;
	v27 =	vld [tilespmem:s20+$0x4450]  }
0x438: {  	[tilespmem:v59+s8+$0x0] =	vst.idx.add.f32.msk $0xffff, v30;
	v63 =	vor.u32 v4, v28  }
0x439: {  	[tilespmem:v22+s8+$0x0] =	vst.idx.add.f32.msk $0xffff, v21;
	v22 =	vor.u32 v6, v28  }
0x43a: {  	[tilespmem:v60+s8+$0x0] =	vst.idx.add.f32.msk $0xffff, v23;
	v23 =	vor.u32 v7, v28  }
0x43b: {  	[tilespmem:v61+s8+$0x0] =	vst.idx.add.f32.msk $0xffff, v8  }
0x43c: {  	[tilespmem:v62+s8+$0x0] =	vst.idx.add.f32.msk $0xffff, v27  }
0x43d: {  	s18 =	sadd.s32 $0x1, s18;
	[tilespmem:v63+s8+$0x0] =	vst.idx.add.f32.msk $0xffff, v21  }
0x43e: {  	p0 =	sne.s32 s18, s14;
	[tilespmem:v22+s8+$0x0] =	vst.idx.add.f32.msk $0xffff, v24  }
.Ltmp2:
0x43f: {  	[tilespmem:v23+s8+$0x0] =	vst.idx.add.f32.msk $0xffff, v8;
	(pc) =	sbr.rel @p0 .LBB2_1-.Ltmp2, $4  }
0x440: {  	[hbm4b:s4+s3] =	stream.linear.scatter [tilespmem:s8], [sflag:$0x2], $0x6400, $0x38;
	[tilespmem:$0xE400] =	vst v63  }
0x441: {  	_ =	swait.ge [sflag:s17], $0x6400  }
0x442: {  	[sflag:s17] =	ssyncset.done $0x0  }
0x443: {  	[sflag:s17] =	ssyncadd.s32 $0xFFFF9C00  }
0x444: {  	_ =	sfence.sel $0x180000  }
0x445: {  	[bflag:$0x0] =	sbarrier.arrive $0xFFFF  }
0x446: {  	p0 =	sne.s32 s0, $0x0;
	_ =	strace $0x90000047  }
0x447: {  	s0 =	sadd.s32 @!p0 $0x100000, s1;
	[bflag:$0x2] =	sbarrier.arrive $0xFFFF  }
0x448: {  	[sflag:s0] =	ssyncadd.tile.s32 @!p0 $0x1;
	_ =	shalt  }
.Lfunc_end2:
_tile_overlayer_lowered:
.L_overlay_start_2:
0x449: {  	(tag) =	ssettag $0x2  }
0x44a: {  	s0 =	rddreg [dreg:$0x0];
	s2 =	stileid.u32  }
0x44b: {  	s1 =	rddreg [dreg:$0x1];
	p0 =	sne.s32 s2, $0x0  }
0x44c: {  	s3 =	rddreg [dreg:$0x2];
	[bflag:$0x3] =	sbarrier.arrive $0xFFFF;
	s2 =	simm.s32 @!p0 $0x1C02  }
0x44d: {  	[timem:s3], [sflag:s2] =	dma.local @!p0 [hbm:s0], s1  }
0x44e: {  	s0 =	simm.s32 @!p0 $0x2  }
0x44f: {  	_ =	swait.ge @!p0 [sflag:s0], s1  }
0x450: {  	s1 =	ssub.s32 @!p0 $0x0, s1;
	[sflag:s0] =	ssyncset.done @!p0 $0x0  }
0x451: {  	[sflag:s0] =	ssyncadd.s32 @!p0 s1  }
0x452: {  	[bflag:$0x3] =	sbarrier.arrive $0xFFFF  }
0x453: {  	_ =	shalt  }

</sc_bundles>
